<compile_context>
chip_gen: v7x
topology: tpu7x:2x2x1
jax: 0.10.2.dev20260603
libtpu: 0.0.44.dev20260713+nightly
codegen_flags: <defaults>
</compile_context>

<pallas_src>
import functools

import jax
import jax.numpy as jnp
from jax import lax
from jax.experimental import pallas as pl
from jax.experimental.pallas import tpu as pltpu
from jax.experimental.pallas import tpu_sc as plsc

N = 10000
E = 320000
D = 128
NC = 2
NS = 16
NW = NC * NS
EP = E // NW
K = 80
NCH = EP // K
NP = 10240
SW = NP // NS
RPS = NP // NS
RB = 128

_mesh = plsc.VectorSubcoreMesh(core_axis_name="c", subcore_axis_name="s")
_sc_params = pltpu.CompilerParams(needs_layout_passes=False)


def _cc_linear_block(xb, W, s, wa=None):
    h = lax.dot_general(xb, W, (((1,), (1,)), ((), ())),
                        preferred_element_type=jnp.float32)
    h0 = h[:, 0:1]
    time = jax.nn.sigmoid(h0) * jnp.exp(s) + 1.1
    sqn = jnp.clip(jnp.sum(h * h, axis=1, keepdims=True) - h0 * h0, 1e-8, None)
    ss = jnp.sqrt((time * time - 1.0) / sqn)
    col = lax.broadcasted_iota(jnp.int32, h.shape, 1)
    out = jnp.where(col == 0, time, h * ss)
    if wa is None:
        return out
    return out, jnp.sum(out * wa, axis=1, keepdims=True)


def _tc1_body(x_ref, wq_ref, wk_ref, wv_ref, wa_ref, sq_ref, sk_ref, sv_ref,
              v_ref, aq_ref, ak_ref):
    xb = x_ref[...]
    wa = wa_ref[...]
    _, aq = _cc_linear_block(xb, wq_ref[...], sq_ref[0, 0], wa[:, :D])
    _, ak = _cc_linear_block(xb, wk_ref[...], sk_ref[0, 0], wa[:, D:])
    v_ref[...] = _cc_linear_block(xb, wv_ref[...], sv_ref[0, 0])
    aq_ref[...] = aq
    ak_ref[...] = ak


def _tc2_body(p_ref, wp_ref, sp_ref, out_ref):
    o = p_ref[0] + p_ref[1]
    o0 = o[:, 0:1]
    inner = jnp.sum(o * o, axis=1, keepdims=True) - 2.0 * o0 * o0
    dn = jnp.sqrt(jnp.clip(jnp.abs(inner), 1e-8, None))
    out_ref[...] = _cc_linear_block(o / dn, wp_ref[...], sp_ref[0, 0])


def _sc_pass_a(src_hbm, dst_hbm, aq_hbm, ak_hbm, ex_hbm, denp_hbm,
               aq_v, ak_v, den_v, src_v, dst_v, exb_v, acc_v, tmp_v, den_sh):
    cid = lax.axis_index("c")
    sid = lax.axis_index("s")
    wid = sid * NC + cid
    base = wid * EP
    pltpu.sync_copy(aq_hbm, aq_v)
    pltpu.sync_copy(ak_hbm, ak_v)

    def zero_den(i, carry):
        den_v[pl.ds(i * 16, 16)] = jnp.zeros((16,), jnp.float32)
        return carry
    lax.fori_loop(0, NP // 16, zero_den, 0)

    def chunk(i, carry):
        off = pl.multiple_of(base + i * K, 8)
        pltpu.sync_copy(src_hbm.at[pl.ds(off, K)], src_v)
        pltpu.sync_copy(dst_hbm.at[pl.ds(off, K)], dst_v)
        for j in range(K // 16):
            sl = pl.ds(j * 16, 16)
            sv = src_v[sl]
            dv = dst_v[sl]
            a1 = plsc.load_gather(aq_v, [sv])
            a2 = plsc.load_gather(ak_v, [dv])
            s_ = a1 + a2
            s_ = jnp.where(s_ > 0.0, s_, 0.01 * s_)
            exv = jnp.exp(s_)
            exb_v[sl] = exv
            plsc.addupdate_scatter(den_v, [sv], exv)
        pltpu.sync_copy(exb_v, ex_hbm.at[pl.ds(off, K)])
        return carry
    lax.fori_loop(0, NCH, chunk, 0)

    pltpu.sync_copy(den_v, den_sh.at[sid])
    plsc.subcore_barrier()
    stripe = pl.ds(pl.multiple_of(sid * SW, 8), SW)
    pltpu.sync_copy(den_sh.at[0, stripe], acc_v)

    def red_row(r, carry):
        pltpu.sync_copy(den_sh.at[r, stripe], tmp_v)

        def add_vec(i, carry2):
            sl = pl.ds(i * 16, 16)
            acc_v[sl] = acc_v[sl] + tmp_v[sl]
            return carry2
        lax.fori_loop(0, SW // 16, add_vec, 0)
        return carry
    lax.fori_loop(1, NS, red_row, 0)
    pltpu.sync_copy(acc_v, denp_hbm.at[cid, stripe])


def _sc_pass_b(src_hbm, dst_hbm, ex_hbm, denp_hbm, v_hbm, outp_hbm,
               den_v, den2_v, src_v, dst_v, exb_v, alp_v, rows_v, z_v,
               out_sh, sem):
    cid = lax.axis_index("c")
    sid = lax.axis_index("s")
    wid = sid * NC + cid
    base = wid * EP
    pltpu.sync_copy(denp_hbm.at[0], den_v)
    pltpu.sync_copy(denp_hbm.at[1], den2_v)

    def add_den(i, carry):
        sl = pl.ds(i * 16, 16)
        den_v[sl] = den_v[sl] + den2_v[sl]
        return carry
    lax.fori_loop(0, NP // 16, add_den, 0)

    def zero_z(i, carry):
        r = i // (D // 16)
        c = i % (D // 16)
        z_v[r, pl.ds(c * 16, 16)] = jnp.zeros((16,), jnp.float32)
        return carry
    lax.fori_loop(0, RB * (D // 16), zero_z, 0)
    for t in range(RPS // RB):
        off0 = pl.multiple_of(sid * RPS + t * RB, 8)
        pltpu.sync_copy(z_v, out_sh.at[pl.ds(off0, RB)])
    plsc.subcore_barrier()

    def chunk(i, carry):
        off = pl.multiple_of(base + i * K, 8)
        pltpu.sync_copy(src_hbm.at[pl.ds(off, K)], src_v)
        pltpu.sync_copy(dst_hbm.at[pl.ds(off, K)], dst_v)
        pltpu.sync_copy(ex_hbm.at[pl.ds(off, K)], exb_v)
        pltpu.async_copy(v_hbm.at[dst_v], rows_v, sem).wait()
        for j in range(K // 16):
            sl = pl.ds(j * 16, 16)
            sv = src_v[sl]
            dnv = plsc.load_gather(den_v, [sv])
            alp_v[sl] = exb_v[sl] / (dnv + 1e-16)

        def scale(r, carry2):
            av = plsc.load_gather(alp_v, [jnp.full((16,), r, jnp.int32)])
            for c in range(D // 16):
                sl2 = pl.ds(c * 16, 16)
                rows_v[r, sl2] = rows_v[r, sl2] * av
            return carry2
        lax.fori_loop(0, K, scale, 0)
        pltpu.sync_copy(rows_v, out_sh.at[src_v], add=True)
        return carry
    lax.fori_loop(0, NCH, chunk, 0)

    plsc.subcore_barrier()
    for t in range(RPS // RB):
        sl = pl.ds(pl.multiple_of(sid * RPS + t * RB, 8), RB)
        pltpu.sync_copy(out_sh.at[sl], z_v)
        pltpu.sync_copy(z_v, outp_hbm.at[cid, sl])


def kernel(x_q, edge_index, Wq, Wk, Wv, Wproj, Wattn, sq, sk, sv, sproj):
    n, d = x_q.shape
    src = edge_index[0]
    dst = edge_index[1]
    sq2 = jnp.reshape(sq, (1, 1))
    sk2 = jnp.reshape(sk, (1, 1))
    sv2 = jnp.reshape(sv, (1, 1))
    sp2 = jnp.reshape(sproj, (1, 1))

    R = 1000
    grid = (n // R,)
    full = pl.BlockSpec((d, d), lambda i: (0, 0))
    scal = pl.BlockSpec((1, 1), lambda i: (0, 0))
    v, aq2, ak2 = pl.pallas_call(
        _tc1_body,
        grid=grid,
        in_specs=[
            pl.BlockSpec((R, d), lambda i: (i, 0)),
            full, full, full,
            pl.BlockSpec((1, 2 * d), lambda i: (0, 0)),
            scal, scal, scal,
        ],
        out_specs=[
            pl.BlockSpec((R, d), lambda i: (i, 0)),
            pl.BlockSpec((R, 1), lambda i: (i, 0)),
            pl.BlockSpec((R, 1), lambda i: (i, 0)),
        ],
        out_shape=[
            jax.ShapeDtypeStruct((n, d), jnp.float32),
            jax.ShapeDtypeStruct((n, 1), jnp.float32),
            jax.ShapeDtypeStruct((n, 1), jnp.float32),
        ],
    )(x_q, Wq, Wk, Wv, Wattn, sq2, sk2, sv2)
    pad = jnp.zeros((NP - n,), jnp.float32)
    aq = jnp.concatenate([aq2.reshape(n), pad])
    ak = jnp.concatenate([ak2.reshape(n), pad])

    ex, denp = pl.kernel(
        _sc_pass_a,
        out_type=[
            jax.ShapeDtypeStruct((E,), jnp.float32),
            jax.ShapeDtypeStruct((NC, NP), jnp.float32),
        ],
        mesh=_mesh,
        scratch_types=[
            pltpu.VMEM((NP,), jnp.float32),
            pltpu.VMEM((NP,), jnp.float32),
            pltpu.VMEM((NP,), jnp.float32),
            pltpu.VMEM((K,), jnp.int32),
            pltpu.VMEM((K,), jnp.int32),
            pltpu.VMEM((K,), jnp.float32),
            pltpu.VMEM((SW,), jnp.float32),
            pltpu.VMEM((SW,), jnp.float32),
            pltpu.VMEM_SHARED((NS, NP), jnp.float32),
        ],
        compiler_params=_sc_params,
    )(src, dst, aq, ak)

    outp = pl.kernel(
        _sc_pass_b,
        out_type=jax.ShapeDtypeStruct((NC, NP, D), jnp.float32),
        mesh=_mesh,
        scratch_types=[
            pltpu.VMEM((NP,), jnp.float32),
            pltpu.VMEM((NP,), jnp.float32),
            pltpu.VMEM((K,), jnp.int32),
            pltpu.VMEM((K,), jnp.int32),
            pltpu.VMEM((K,), jnp.float32),
            pltpu.VMEM((128,), jnp.float32),
            pltpu.VMEM((K, D), jnp.float32),
            pltpu.VMEM((RB, D), jnp.float32),
            pltpu.VMEM_SHARED((NP, D), jnp.float32),
            pltpu.SemaphoreType.DMA,
        ],
        compiler_params=_sc_params,
    )(src, dst, ex, denp, v)

    out = pl.pallas_call(
        _tc2_body,
        grid=grid,
        in_specs=[
            pl.BlockSpec((NC, R, d), lambda i: (0, i, 0)),
            full, scal,
        ],
        out_specs=pl.BlockSpec((R, d), lambda i: (i, 0)),
        out_shape=jax.ShapeDtypeStruct((n, d), jnp.float32),
    )(outp, Wproj, sp2)
    return out

# --- scband reference (transcript-rebuilt; emitter-appended) ---
"""Pipeline reference for scband-manifold-attention-35416300323691 (READ-ONLY COPY).

The authoritative reference and input builder live on the scoring server;
editing this copy changes nothing except your own understanding.
"""

import jax, jax.numpy as jnp
import numpy as np

K_CURV = 1.0  # manifold curvature k (Lorentz model)


def cc_linear(x, W, log_scale):
    # ConstCurveLinear (HyboNet-style LorentzLinear, bias=False, dropout=0):
    # linear map followed by rescaling the space-like part so the point lies
    # on the hyperboloid parametrized by the sigmoid-gated time component.
    x = x @ W.T
    x_narrow = x[:, 1:]
    time = jax.nn.sigmoid(x[:, :1]) * jnp.exp(log_scale) + 1.1
    sq_norm = jnp.clip((x_narrow * x_narrow).sum(-1, keepdims=True), 1e-8, None)
    scale = (time * time - 1.0 / K_CURV) / sq_norm
    return jnp.concatenate([time, x_narrow * jnp.sqrt(scale)], axis=-1)


def setup_inputs(seed: int = 0):
    key = jax.random.key(seed)
    ks = jax.random.split(key, 8)
    N, E = 10000, 320000
    in_dim, hidden_dim, out_dim = 128, 128, 128
    x_q = jax.random.normal(ks[0], (N, in_dim), dtype=jnp.float32)
    edge_index = jax.random.randint(ks[1], (2, E), 0, N, dtype=jnp.int32)
    Wq = jax.random.normal(ks[2], (hidden_dim, in_dim), dtype=jnp.float32) / np.sqrt(in_dim)
    Wk = jax.random.normal(ks[3], (hidden_dim, in_dim), dtype=jnp.float32) / np.sqrt(in_dim)
    Wv = jax.random.normal(ks[4], (hidden_dim, in_dim), dtype=jnp.float32) / np.sqrt(in_dim)
    Wproj = jax.random.normal(ks[5], (out_dim, hidden_dim), dtype=jnp.float32) / np.sqrt(hidden_dim)
    Wattn = jax.random.normal(ks[6], (1, 2 * hidden_dim), dtype=jnp.float32) / np.sqrt(2 * hidden_dim)
    s = jnp.asarray(np.log(10.0), dtype=jnp.float32)
    return {"x_q": x_q, "edge_index": edge_index, "Wq": Wq, "Wk": Wk, "Wv": Wv,
            "Wproj": Wproj, "Wattn": Wattn, "sq": s, "sk": s, "sv": s, "sproj": s}


def reference(x_q, edge_index, Wq, Wk, Wv, Wproj, Wattn, sq, sk, sv, sproj):
    N = x_q.shape[0]
    q = cc_linear(x_q, Wq, sq)
    k = cc_linear(x_q, Wk, sk)
    v = cc_linear(x_q, Wv, sv)
    src = edge_index[0]
    dst = edge_index[1]
    qk = jnp.concatenate([q[src], k[dst]], axis=-1)
    score = jax.nn.leaky_relu(qk @ Wattn.T, negative_slope=0.01)[:, 0]
    # scatter_softmax over src groups
    m = jax.ops.segment_max(score, src, num_segments=N)
    m = jnp.where(jnp.isfinite(m), m, 0.0)
    ex = jnp.exp(score - m[src])
    den = jax.ops.segment_sum(ex, src, num_segments=N)
    alpha = ex / (den[src] + 1e-16)
    # scatter_sum aggregation (agg_index defaults to src)
    out = jax.ops.segment_sum(alpha[:, None] * v[dst], src, num_segments=N)
    # Lorentz inner product normalization back to the manifold
    inner = -out[:, :1] ** 2 + (out[:, 1:] ** 2).sum(-1, keepdims=True)
    denorm = jnp.sqrt(jnp.clip(jnp.abs(inner), 1e-8, None))
    out = (1.0 / jnp.sqrt(K_CURV)) * out / denorm
    out = cc_linear(out, Wproj, sproj)
    return out

if __name__ == "__main__":
    import jax
    _d = setup_inputs()
    print(jax.jit(kernel)(*tuple(_d.values())))

</pallas_src>

<mosaic_0001>
#map = affine_map<(d0, d1) -> (0)>
#map1 = affine_map<(d0, d1) -> (0, 0)>
module attributes {stable_mosaic.version = 14 : i64} {
  func.func @_sc_pass_a(%arg0: i32, %arg1: i32, %arg2: memref<320000xi32, #tpu.memory_space<hbm>>, %arg3: memref<320000xi32, #tpu.memory_space<hbm>>, %arg4: memref<10240xf32, #tpu.memory_space<hbm>>, %arg5: memref<10240xf32, #tpu.memory_space<hbm>>, %arg6: memref<320000xf32, #tpu.memory_space<hbm>>, %arg7: memref<2x10240xf32, #tpu.memory_space<hbm>>, %arg8: memref<10240xf32, #tpu.memory_space<vmem>>, %arg9: memref<10240xf32, #tpu.memory_space<vmem>>, %arg10: memref<10240xf32, #tpu.memory_space<vmem>>, %arg11: memref<80xi32, #tpu.memory_space<vmem>>, %arg12: memref<80xi32, #tpu.memory_space<vmem>>, %arg13: memref<80xf32, #tpu.memory_space<vmem>>, %arg14: memref<640xf32, #tpu.memory_space<vmem>>, %arg15: memref<640xf32, #tpu.memory_space<vmem>>, %arg16: memref<16x10240xf32, #tpu.memory_space<vmem_shared>>) attributes {dimension_semantics = [#tpu.dimension_semantics<core_parallel>, #tpu.dimension_semantics<subcore_parallel>], iteration_bounds = array<i64: 2, 16>, scalar_prefetch = 0 : i64, scratch_operands = 9 : i64, tpu.core_type = #tpu.core_type<sc_vector_subcore>, window_params = [{transform_indices = #map}, {transform_indices = #map}, {transform_indices = #map}, {transform_indices = #map}, {transform_indices = #map}, {transform_indices = #map1}]} {
    %mul3A = arith.constant 2 : i32
    %mul3A_0 = arith.muli %arg1, %mul3A : i32
    %add3A = arith.addi %mul3A_0, %arg0 : i32
    %mul3A_1 = arith.constant 10000 : i32
    %mul3A_2 = arith.muli %add3A, %mul3A_1 : i32
    "tpu.region"() ({
      %run_scoped3A_22 = tpu.sem_alloc : memref<!tpu.dma_semaphore, #tpu.memory_space<semaphore_mem>>
      tpu.enqueue_dma source(%arg4 : memref<10240xf32, #tpu.memory_space<hbm>>) target(%arg8 : memref<10240xf32, #tpu.memory_space<vmem>>) target_semaphore(%run_scoped3A_22 : memref<!tpu.dma_semaphore, #tpu.memory_space<semaphore_mem>>)
      tpu.wait_dma2 semaphore(%run_scoped3A_22 : memref<!tpu.dma_semaphore, #tpu.memory_space<semaphore_mem>>) src(%arg4 : memref<10240xf32, #tpu.memory_space<hbm>>) dst(%arg8 : memref<10240xf32, #tpu.memory_space<vmem>>)
      tpu.yield
    }) : () -> ()
    "tpu.region"() ({
      %run_scoped3A_22 = tpu.sem_alloc : memref<!tpu.dma_semaphore, #tpu.memory_space<semaphore_mem>>
      tpu.enqueue_dma source(%arg5 : memref<10240xf32, #tpu.memory_space<hbm>>) target(%arg9 : memref<10240xf32, #tpu.memory_space<vmem>>) target_semaphore(%run_scoped3A_22 : memref<!tpu.dma_semaphore, #tpu.memory_space<semaphore_mem>>)
      tpu.wait_dma2 semaphore(%run_scoped3A_22 : memref<!tpu.dma_semaphore, #tpu.memory_space<semaphore_mem>>) src(%arg5 : memref<10240xf32, #tpu.memory_space<hbm>>) dst(%arg9 : memref<10240xf32, #tpu.memory_space<vmem>>)
      tpu.yield
    }) : () -> ()
    %scan3A = arith.constant 0 : i32
    %scan3A_3 = arith.constant 0 : i32
    %scan3A_4 = arith.constant 640 : i32
    %scan3A_5 = arith.addi %scan3A_3, %scan3A_4 : i32
    %scan3A_6 = arith.constant 1 : i32
    scf.for %scan3A_22 = %scan3A_3 to %scan3A_5 step %scan3A_6  : i32 {
      %broadcast_in_dim3A = arith.constant 0.000000e+00 : f32
      %broadcast_in_dim3A_23 = vector.broadcast %broadcast_in_dim3A : f32 to vector<16xf32>
      %mul3A_24 = arith.constant 16 : i32
      %mul3A_25 = arith.muli %scan3A_22, %mul3A_24 : i32
      %swap3A = arith.index_cast %mul3A_25 : i32 to index
      %swap3A_26 = tpu.vector_load %arg10[%swap3A] {strides = array<i32>} : memref<10240xf32, #tpu.memory_space<vmem>>, vector<16xf32>,
      tpu.vector_store %arg10[%swap3A], %broadcast_in_dim3A_23 {strides = array<i32>} : memref<10240xf32, #tpu.memory_space<vmem>>, vector<16xf32>,
    }
    %scan3A_7 = arith.constant 640 : i32
    %scan3A_8 = arith.constant 0 : i32
    %scan3A_9 = arith.constant 0 : i32
    %scan3A_10 = arith.constant 125 : i32
    %scan3A_11 = arith.addi %scan3A_9, %scan3A_10 : i32
    %scan3A_12 = arith.constant 1 : i32
    scf.for %scan3A_22 = %scan3A_9 to %scan3A_11 step %scan3A_12  : i32 {
      %mul3A_23 = arith.constant 80 : i32
      %mul3A_24 = arith.muli %scan3A_22, %mul3A_23 : i32
      %add3A_25 = arith.addi %mul3A_2, %mul3A_24 : i32
      %multiple_of3A_26 = tpu.assume_multiple %add3A_25, 8 : i32
      "tpu.region"() ({
        %run_scoped3A_106 = tpu.sem_alloc : memref<!tpu.dma_semaphore, #tpu.memory_space<semaphore_mem>>
        %dma_start3A = tpu.memref_slice %arg2[%multiple_of3A_26] : memref<320000xi32, #tpu.memory_space<hbm>> -> memref<80xi32, #tpu.memory_space<hbm>>
        %dma_start3A_107 = tpu.memref_slice %arg2[%multiple_of3A_26] : memref<320000xi32, #tpu.memory_space<hbm>> -> memref<80xi32, #tpu.memory_space<hbm>>
        tpu.enqueue_dma source(%dma_start3A_107 : memref<80xi32, #tpu.memory_space<hbm>>) target(%arg11 : memref<80xi32, #tpu.memory_space<vmem>>) target_semaphore(%run_scoped3A_106 : memref<!tpu.dma_semaphore, #tpu.memory_space<semaphore_mem>>)
        %dma_wait3A = tpu.memref_slice %arg2[%multiple_of3A_26] : memref<320000xi32, #tpu.memory_space<hbm>> -> memref<80xi32, #tpu.memory_space<hbm>>
        %dma_wait3A_108 = tpu.memref_slice %arg2[%multiple_of3A_26] : memref<320000xi32, #tpu.memory_space<hbm>> -> memref<80xi32, #tpu.memory_space<hbm>>
        tpu.wait_dma2 semaphore(%run_scoped3A_106 : memref<!tpu.dma_semaphore, #tpu.memory_space<semaphore_mem>>) src(%dma_wait3A_108 : memref<80xi32, #tpu.memory_space<hbm>>) dst(%arg11 : memref<80xi32, #tpu.memory_space<vmem>>)
        tpu.yield
      }) : () -> ()
      "tpu.region"() ({
        %run_scoped3A_106 = tpu.sem_alloc : memref<!tpu.dma_semaphore, #tpu.memory_space<semaphore_mem>>
        %dma_start3A = tpu.memref_slice %arg3[%multiple_of3A_26] : memref<320000xi32, #tpu.memory_space<hbm>> -> memref<80xi32, #tpu.memory_space<hbm>>
        %dma_start3A_107 = tpu.memref_slice %arg3[%multiple_of3A_26] : memref<320000xi32, #tpu.memory_space<hbm>> -> memref<80xi32, #tpu.memory_space<hbm>>
        tpu.enqueue_dma source(%dma_start3A_107 : memref<80xi32, #tpu.memory_space<hbm>>) target(%arg12 : memref<80xi32, #tpu.memory_space<vmem>>) target_semaphore(%run_scoped3A_106 : memref<!tpu.dma_semaphore, #tpu.memory_space<semaphore_mem>>)
        %dma_wait3A = tpu.memref_slice %arg3[%multiple_of3A_26] : memref<320000xi32, #tpu.memory_space<hbm>> -> memref<80xi32, #tpu.memory_space<hbm>>
        %dma_wait3A_108 = tpu.memref_slice %arg3[%multiple_of3A_26] : memref<320000xi32, #tpu.memory_space<hbm>> -> memref<80xi32, #tpu.memory_space<hbm>>
        tpu.wait_dma2 semaphore(%run_scoped3A_106 : memref<!tpu.dma_semaphore, #tpu.memory_space<semaphore_mem>>) src(%dma_wait3A_108 : memref<80xi32, #tpu.memory_space<hbm>>) dst(%arg12 : memref<80xi32, #tpu.memory_space<vmem>>)
        tpu.yield
      }) : () -> ()
      %get3A = arith.constant 0 : index
      %get3A_27 = tpu.vector_load %arg11[%get3A] {strides = array<i32>} : memref<80xi32, #tpu.memory_space<vmem>>, vector<16xi32>,
      %get3A_28 = arith.constant 0 : index
      %get3A_29 = tpu.vector_load %arg12[%get3A_28] {strides = array<i32>} : memref<80xi32, #tpu.memory_space<vmem>>, vector<16xi32>,
      %gather3A = tpu.vector_load_idx %arg8[%get3A_27] : memref<10240xf32, #tpu.memory_space<vmem>>[vector<16xi32>], vector<16xf32>,
      %gather3A_30 = tpu.vector_load_idx %arg9[%get3A_29] : memref<10240xf32, #tpu.memory_space<vmem>>[vector<16xi32>], vector<16xf32>,
      %add3A_31 = arith.addf %gather3A, %gather3A_30 : vector<16xf32>
      %gt3A = arith.constant 0.000000e+00 : f32
      %gt3A_32 = vector.broadcast %gt3A : f32 to vector<16xf32>
      %gt3A_33 = arith.cmpf ogt, %add3A_31, %gt3A_32 : vector<16xf32>
      %mul3A_34 = arith.constant 0.00999999977 : f32
      %mul3A_35 = vector.broadcast %mul3A_34 : f32 to vector<16xf32>
      %mul3A_36 = arith.mulf %mul3A_35, %add3A_31 : vector<16xf32>
      %select_n3A = arith.select %gt3A_33, %add3A_31, %mul3A_36 : vector<16xi1>, vector<16xf32>
      %exp3A = math.exp %select_n3A : vector<16xf32>
      %swap3A = arith.constant 0 : index
      %swap3A_37 = tpu.vector_load %arg13[%swap3A] {strides = array<i32>} : memref<80xf32, #tpu.memory_space<vmem>>, vector<16xf32>,
      tpu.vector_store %arg13[%swap3A], %exp3A {strides = array<i32>} : memref<80xf32, #tpu.memory_space<vmem>>, vector<16xf32>,
      tpu.vector_store_idx %arg10[%get3A_27], %exp3A {add = true} : memref<10240xf32, #tpu.memory_space<vmem>>[vector<16xi32>], vector<16xf32>,
      %get3A_38 = arith.constant 16 : index
      %get3A_39 = tpu.vector_load %arg11[%get3A_38] {strides = array<i32>} : memref<80xi32, #tpu.memory_space<vmem>>, vector<16xi32>,
      %get3A_40 = arith.constant 16 : index
      %get3A_41 = tpu.vector_load %arg12[%get3A_40] {strides = array<i32>} : memref<80xi32, #tpu.memory_space<vmem>>, vector<16xi32>,
      %gather3A_42 = tpu.vector_load_idx %arg8[%get3A_39] : memref<10240xf32, #tpu.memory_space<vmem>>[vector<16xi32>], vector<16xf32>,
      %gather3A_43 = tpu.vector_load_idx %arg9[%get3A_41] : memref<10240xf32, #tpu.memory_space<vmem>>[vector<16xi32>], vector<16xf32>,
      %add3A_44 = arith.addf %gather3A_42, %gather3A_43 : vector<16xf32>
      %gt3A_45 = arith.constant 0.000000e+00 : f32
      %gt3A_46 = vector.broadcast %gt3A_45 : f32 to vector<16xf32>
      %gt3A_47 = arith.cmpf ogt, %add3A_44, %gt3A_46 : vector<16xf32>
      %mul3A_48 = arith.constant 0.00999999977 : f32
      %mul3A_49 = vector.broadcast %mul3A_48 : f32 to vector<16xf32>
      %mul3A_50 = arith.mulf %mul3A_49, %add3A_44 : vector<16xf32>
      %select_n3A_51 = arith.select %gt3A_47, %add3A_44, %mul3A_50 : vector<16xi1>, vector<16xf32>
      %exp3A_52 = math.exp %select_n3A_51 : vector<16xf32>
      %swap3A_53 = arith.constant 16 : index
      %swap3A_54 = tpu.vector_load %arg13[%swap3A_53] {strides = array<i32>} : memref<80xf32, #tpu.memory_space<vmem>>, vector<16xf32>,
      tpu.vector_store %arg13[%swap3A_53], %exp3A_52 {strides = array<i32>} : memref<80xf32, #tpu.memory_space<vmem>>, vector<16xf32>,
      tpu.vector_store_idx %arg10[%get3A_39], %exp3A_52 {add = true} : memref<10240xf32, #tpu.memory_space<vmem>>[vector<16xi32>], vector<16xf32>,
      %get3A_55 = arith.constant 32 : index
      %get3A_56 = tpu.vector_load %arg11[%get3A_55] {strides = array<i32>} : memref<80xi32, #tpu.memory_space<vmem>>, vector<16xi32>,
      %get3A_57 = arith.constant 32 : index
      %get3A_58 = tpu.vector_load %arg12[%get3A_57] {strides = array<i32>} : memref<80xi32, #tpu.memory_space<vmem>>, vector<16xi32>,
      %gather3A_59 = tpu.vector_load_idx %arg8[%get3A_56] : memref<10240xf32, #tpu.memory_space<vmem>>[vector<16xi32>], vector<16xf32>,
      %gather3A_60 = tpu.vector_load_idx %arg9[%get3A_58] : memref<10240xf32, #tpu.memory_space<vmem>>[vector<16xi32>], vector<16xf32>,
      %add3A_61 = arith.addf %gather3A_59, %gather3A_60 : vector<16xf32>
      %gt3A_62 = arith.constant 0.000000e+00 : f32
      %gt3A_63 = vector.broadcast %gt3A_62 : f32 to vector<16xf32>
      %gt3A_64 = arith.cmpf ogt, %add3A_61, %gt3A_63 : vector<16xf32>
      %mul3A_65 = arith.constant 0.00999999977 : f32
      %mul3A_66 = vector.broadcast %mul3A_65 : f32 to vector<16xf32>
      %mul3A_67 = arith.mulf %mul3A_66, %add3A_61 : vector<16xf32>
      %select_n3A_68 = arith.select %gt3A_64, %add3A_61, %mul3A_67 : vector<16xi1>, vector<16xf32>
      %exp3A_69 = math.exp %select_n3A_68 : vector<16xf32>
      %swap3A_70 = arith.constant 32 : index
      %swap3A_71 = tpu.vector_load %arg13[%swap3A_70] {strides = array<i32>} : memref<80xf32, #tpu.memory_space<vmem>>, vector<16xf32>,
      tpu.vector_store %arg13[%swap3A_70], %exp3A_69 {strides = array<i32>} : memref<80xf32, #tpu.memory_space<vmem>>, vector<16xf32>,
      tpu.vector_store_idx %arg10[%get3A_56], %exp3A_69 {add = true} : memref<10240xf32, #tpu.memory_space<vmem>>[vector<16xi32>], vector<16xf32>,
      %get3A_72 = arith.constant 48 : index
      %get3A_73 = tpu.vector_load %arg11[%get3A_72] {strides = array<i32>} : memref<80xi32, #tpu.memory_space<vmem>>, vector<16xi32>,
      %get3A_74 = arith.constant 48 : index
      %get3A_75 = tpu.vector_load %arg12[%get3A_74] {strides = array<i32>} : memref<80xi32, #tpu.memory_space<vmem>>, vector<16xi32>,
      %gather3A_76 = tpu.vector_load_idx %arg8[%get3A_73] : memref<10240xf32, #tpu.memory_space<vmem>>[vector<16xi32>], vector<16xf32>,
      %gather3A_77 = tpu.vector_load_idx %arg9[%get3A_75] : memref<10240xf32, #tpu.memory_space<vmem>>[vector<16xi32>], vector<16xf32>,
      %add3A_78 = arith.addf %gather3A_76, %gather3A_77 : vector<16xf32>
      %gt3A_79 = arith.constant 0.000000e+00 : f32
      %gt3A_80 = vector.broadcast %gt3A_79 : f32 to vector<16xf32>
      %gt3A_81 = arith.cmpf ogt, %add3A_78, %gt3A_80 : vector<16xf32>
      %mul3A_82 = arith.constant 0.00999999977 : f32
      %mul3A_83 = vector.broadcast %mul3A_82 : f32 to vector<16xf32>
      %mul3A_84 = arith.mulf %mul3A_83, %add3A_78 : vector<16xf32>
      %select_n3A_85 = arith.select %gt3A_81, %add3A_78, %mul3A_84 : vector<16xi1>, vector<16xf32>
      %exp3A_86 = math.exp %select_n3A_85 : vector<16xf32>
      %swap3A_87 = arith.constant 48 : index
      %swap3A_88 = tpu.vector_load %arg13[%swap3A_87] {strides = array<i32>} : memref<80xf32, #tpu.memory_space<vmem>>, vector<16xf32>,
      tpu.vector_store %arg13[%swap3A_87], %exp3A_86 {strides = array<i32>} : memref<80xf32, #tpu.memory_space<vmem>>, vector<16xf32>,
      tpu.vector_store_idx %arg10[%get3A_73], %exp3A_86 {add = true} : memref<10240xf32, #tpu.memory_space<vmem>>[vector<16xi32>], vector<16xf32>,
      %get3A_89 = arith.constant 64 : index
      %get3A_90 = tpu.vector_load %arg11[%get3A_89] {strides = array<i32>} : memref<80xi32, #tpu.memory_space<vmem>>, vector<16xi32>,
      %get3A_91 = arith.constant 64 : index
      %get3A_92 = tpu.vector_load %arg12[%get3A_91] {strides = array<i32>} : memref<80xi32, #tpu.memory_space<vmem>>, vector<16xi32>,
      %gather3A_93 = tpu.vector_load_idx %arg8[%get3A_90] : memref<10240xf32, #tpu.memory_space<vmem>>[vector<16xi32>], vector<16xf32>,
      %gather3A_94 = tpu.vector_load_idx %arg9[%get3A_92] : memref<10240xf32, #tpu.memory_space<vmem>>[vector<16xi32>], vector<16xf32>,
      %add3A_95 = arith.addf %gather3A_93, %gather3A_94 : vector<16xf32>
      %gt3A_96 = arith.constant 0.000000e+00 : f32
      %gt3A_97 = vector.broadcast %gt3A_96 : f32 to vector<16xf32>
      %gt3A_98 = arith.cmpf ogt, %add3A_95, %gt3A_97 : vector<16xf32>
      %mul3A_99 = arith.constant 0.00999999977 : f32
      %mul3A_100 = vector.broadcast %mul3A_99 : f32 to vector<16xf32>
      %mul3A_101 = arith.mulf %mul3A_100, %add3A_95 : vector<16xf32>
      %select_n3A_102 = arith.select %gt3A_98, %add3A_95, %mul3A_101 : vector<16xi1>, vector<16xf32>
      %exp3A_103 = math.exp %select_n3A_102 : vector<16xf32>
      %swap3A_104 = arith.constant 64 : index
      %swap3A_105 = tpu.vector_load %arg13[%swap3A_104] {strides = array<i32>} : memref<80xf32, #tpu.memory_space<vmem>>, vector<16xf32>,
      tpu.vector_store %arg13[%swap3A_104], %exp3A_103 {strides = array<i32>} : memref<80xf32, #tpu.memory_space<vmem>>, vector<16xf32>,
      tpu.vector_store_idx %arg10[%get3A_90], %exp3A_103 {add = true} : memref<10240xf32, #tpu.memory_space<vmem>>[vector<16xi32>], vector<16xf32>,
      "tpu.region"() ({
        %run_scoped3A_106 = tpu.sem_alloc : memref<!tpu.dma_semaphore, #tpu.memory_space<semaphore_mem>>
        %dma_start3A = tpu.memref_slice %arg6[%multiple_of3A_26] : memref<320000xf32, #tpu.memory_space<hbm>> -> memref<80xf32, #tpu.memory_space<hbm>>
        %dma_start3A_107 = tpu.memref_slice %arg6[%multiple_of3A_26] : memref<320000xf32, #tpu.memory_space<hbm>> -> memref<80xf32, #tpu.memory_space<hbm>>
        tpu.enqueue_dma source(%arg13 : memref<80xf32, #tpu.memory_space<vmem>>) target(%dma_start3A_107 : memref<80xf32, #tpu.memory_space<hbm>>) target_semaphore(%run_scoped3A_106 : memref<!tpu.dma_semaphore, #tpu.memory_space<semaphore_mem>>)
        %dma_wait3A = tpu.memref_slice %arg6[%multiple_of3A_26] : memref<320000xf32, #tpu.memory_space<hbm>> -> memref<80xf32, #tpu.memory_space<hbm>>
        %dma_wait3A_108 = tpu.memref_slice %arg6[%multiple_of3A_26] : memref<320000xf32, #tpu.memory_space<hbm>> -> memref<80xf32, #tpu.memory_space<hbm>>
        tpu.wait_dma2 semaphore(%run_scoped3A_106 : memref<!tpu.dma_semaphore, #tpu.memory_space<semaphore_mem>>) src(%arg13 : memref<80xf32, #tpu.memory_space<vmem>>) dst(%dma_wait3A_108 : memref<80xf32, #tpu.memory_space<hbm>>)
        tpu.yield
      }) : () -> ()
    }
    %scan3A_13 = arith.constant 125 : i32
    "tpu.region"() ({
      %run_scoped3A_22 = tpu.sem_alloc : memref<!tpu.dma_semaphore, #tpu.memory_space<semaphore_mem>>
      %dma_start3A = arith.constant 0 : i32
      %dma_start3A_23 = tpu.memref_slice %arg16[%arg1, %dma_start3A] : memref<16x10240xf32, #tpu.memory_space<vmem_shared>> -> memref<1x10240xf32, #tpu.memory_space<vmem_shared>>
      %dma_start3A_24 = tpu.memref_squeeze %dma_start3A_23 : memref<1x10240xf32, #tpu.memory_space<vmem_shared>> -> memref<10240xf32, #tpu.memory_space<vmem_shared>>
      %dma_start3A_25 = arith.constant 0 : i32
      %dma_start3A_26 = tpu.memref_slice %arg16[%arg1, %dma_start3A_25] : memref<16x10240xf32, #tpu.memory_space<vmem_shared>> -> memref<1x10240xf32, #tpu.memory_space<vmem_shared>>
      %dma_start3A_27 = tpu.memref_squeeze %dma_start3A_26 : memref<1x10240xf32, #tpu.memory_space<vmem_shared>> -> memref<10240xf32, #tpu.memory_space<vmem_shared>>
      tpu.enqueue_dma source(%arg10 : memref<10240xf32, #tpu.memory_space<vmem>>) target(%dma_start3A_27 : memref<10240xf32, #tpu.memory_space<vmem_shared>>) target_semaphore(%run_scoped3A_22 : memref<!tpu.dma_semaphore, #tpu.memory_space<semaphore_mem>>)
      %dma_wait3A = arith.constant 0 : i32
      %dma_wait3A_28 = tpu.memref_slice %arg16[%arg1, %dma_wait3A] : memref<16x10240xf32, #tpu.memory_space<vmem_shared>> -> memref<1x10240xf32, #tpu.memory_space<vmem_shared>>
      %dma_wait3A_29 = tpu.memref_squeeze %dma_wait3A_28 : memref<1x10240xf32, #tpu.memory_space<vmem_shared>> -> memref<10240xf32, #tpu.memory_space<vmem_shared>>
      %dma_wait3A_30 = arith.constant 0 : i32
      %dma_wait3A_31 = tpu.memref_slice %arg16[%arg1, %dma_wait3A_30] : memref<16x10240xf32, #tpu.memory_space<vmem_shared>> -> memref<1x10240xf32, #tpu.memory_space<vmem_shared>>
      %dma_wait3A_32 = tpu.memref_squeeze %dma_wait3A_31 : memref<1x10240xf32, #tpu.memory_space<vmem_shared>> -> memref<10240xf32, #tpu.memory_space<vmem_shared>>
      tpu.wait_dma2 semaphore(%run_scoped3A_22 : memref<!tpu.dma_semaphore, #tpu.memory_space<semaphore_mem>>) src(%arg10 : memref<10240xf32, #tpu.memory_space<vmem>>) dst(%dma_wait3A_32 : memref<10240xf32, #tpu.memory_space<vmem_shared>>)
      tpu.yield
    }) : () -> ()
    %barrier3A = arith.constant 0 : index
    tpu.barrier barrier_id(%barrier3A)
    %mul3A_14 = arith.constant 640 : i32
    %mul3A_15 = arith.muli %arg1, %mul3A_14 : i32
    %multiple_of3A = tpu.assume_multiple %mul3A_15, 8 : i32
    %run_scoped3A = arith.constant 0 : i32
    "tpu.region"() ({
      %run_scoped3A_22 = tpu.sem_alloc : memref<!tpu.dma_semaphore, #tpu.memory_space<semaphore_mem>>
      %dma_start3A = tpu.memref_slice %arg16[%run_scoped3A, %multiple_of3A] : memref<16x10240xf32, #tpu.memory_space<vmem_shared>> -> memref<1x640xf32, #tpu.memory_space<vmem_shared>>
      %dma_start3A_23 = tpu.memref_squeeze %dma_start3A : memref<1x640xf32, #tpu.memory_space<vmem_shared>> -> memref<640xf32, #tpu.memory_space<vmem_shared>>
      %dma_start3A_24 = tpu.memref_slice %arg16[%run_scoped3A, %multiple_of3A] : memref<16x10240xf32, #tpu.memory_space<vmem_shared>> -> memref<1x640xf32, #tpu.memory_space<vmem_shared>>
      %dma_start3A_25 = tpu.memref_squeeze %dma_start3A_24 : memref<1x640xf32, #tpu.memory_space<vmem_shared>> -> memref<640xf32, #tpu.memory_space<vmem_shared>>
      tpu.enqueue_dma source(%dma_start3A_25 : memref<640xf32, #tpu.memory_space<vmem_shared>>) target(%arg14 : memref<640xf32, #tpu.memory_space<vmem>>) target_semaphore(%run_scoped3A_22 : memref<!tpu.dma_semaphore, #tpu.memory_space<semaphore_mem>>)
      %dma_wait3A = tpu.memref_slice %arg16[%run_scoped3A, %multiple_of3A] : memref<16x10240xf32, #tpu.memory_space<vmem_shared>> -> memref<1x640xf32, #tpu.memory_space<vmem_shared>>
      %dma_wait3A_26 = tpu.memref_squeeze %dma_wait3A : memref<1x640xf32, #tpu.memory_space<vmem_shared>> -> memref<640xf32, #tpu.memory_space<vmem_shared>>
      %dma_wait3A_27 = tpu.memref_slice %arg16[%run_scoped3A, %multiple_of3A] : memref<16x10240xf32, #tpu.memory_space<vmem_shared>> -> memref<1x640xf32, #tpu.memory_space<vmem_shared>>
      %dma_wait3A_28 = tpu.memref_squeeze %dma_wait3A_27 : memref<1x640xf32, #tpu.memory_space<vmem_shared>> -> memref<640xf32, #tpu.memory_space<vmem_shared>>
      tpu.wait_dma2 semaphore(%run_scoped3A_22 : memref<!tpu.dma_semaphore, #tpu.memory_space<semaphore_mem>>) src(%dma_wait3A_28 : memref<640xf32, #tpu.memory_space<vmem_shared>>) dst(%arg14 : memref<640xf32, #tpu.memory_space<vmem>>)
      tpu.yield
    }) : () -> ()
    %scan3A_16 = arith.constant 0 : i32
    %scan3A_17 = arith.constant 1 : i32
    %scan3A_18 = arith.constant 15 : i32
    %scan3A_19 = arith.addi %scan3A_17, %scan3A_18 : i32
    %scan3A_20 = arith.constant 1 : i32
    scf.for %scan3A_22 = %scan3A_17 to %scan3A_19 step %scan3A_20  : i32 {
      "tpu.region"() ({
        %run_scoped3A_29 = tpu.sem_alloc : memref<!tpu.dma_semaphore, #tpu.memory_space<semaphore_mem>>
        %dma_start3A = tpu.memref_slice %arg16[%scan3A_22, %multiple_of3A] : memref<16x10240xf32, #tpu.memory_space<vmem_shared>> -> memref<1x640xf32, #tpu.memory_space<vmem_shared>>
        %dma_start3A_30 = tpu.memref_squeeze %dma_start3A : memref<1x640xf32, #tpu.memory_space<vmem_shared>> -> memref<640xf32, #tpu.memory_space<vmem_shared>>
        %dma_start3A_31 = tpu.memref_slice %arg16[%scan3A_22, %multiple_of3A] : memref<16x10240xf32, #tpu.memory_space<vmem_shared>> -> memref<1x640xf32, #tpu.memory_space<vmem_shared>>
        %dma_start3A_32 = tpu.memref_squeeze %dma_start3A_31 : memref<1x640xf32, #tpu.memory_space<vmem_shared>> -> memref<640xf32, #tpu.memory_space<vmem_shared>>
        tpu.enqueue_dma source(%dma_start3A_32 : memref<640xf32, #tpu.memory_space<vmem_shared>>) target(%arg15 : memref<640xf32, #tpu.memory_space<vmem>>) target_semaphore(%run_scoped3A_29 : memref<!tpu.dma_semaphore, #tpu.memory_space<semaphore_mem>>)
        %dma_wait3A = tpu.memref_slice %arg16[%scan3A_22, %multiple_of3A] : memref<16x10240xf32, #tpu.memory_space<vmem_shared>> -> memref<1x640xf32, #tpu.memory_space<vmem_shared>>
        %dma_wait3A_33 = tpu.memref_squeeze %dma_wait3A : memref<1x640xf32, #tpu.memory_space<vmem_shared>> -> memref<640xf32, #tpu.memory_space<vmem_shared>>
        %dma_wait3A_34 = tpu.memref_slice %arg16[%scan3A_22, %multiple_of3A] : memref<16x10240xf32, #tpu.memory_space<vmem_shared>> -> memref<1x640xf32, #tpu.memory_space<vmem_shared>>
        %dma_wait3A_35 = tpu.memref_squeeze %dma_wait3A_34 : memref<1x640xf32, #tpu.memory_space<vmem_shared>> -> memref<640xf32, #tpu.memory_space<vmem_shared>>
        tpu.wait_dma2 semaphore(%run_scoped3A_29 : memref<!tpu.dma_semaphore, #tpu.memory_space<semaphore_mem>>) src(%dma_wait3A_35 : memref<640xf32, #tpu.memory_space<vmem_shared>>) dst(%arg15 : memref<640xf32, #tpu.memory_space<vmem>>)
        tpu.yield
      }) : () -> ()
      %scan3A_23 = arith.constant 0 : i32
      %scan3A_24 = arith.constant 0 : i32
      %scan3A_25 = arith.constant 40 : i32
      %scan3A_26 = arith.addi %scan3A_24, %scan3A_25 : i32
      %scan3A_27 = arith.constant 1 : i32
      scf.for %scan3A_29 = %scan3A_24 to %scan3A_26 step %scan3A_27  : i32 {
        %mul3A_30 = arith.constant 16 : i32
        %mul3A_31 = arith.muli %scan3A_29, %mul3A_30 : i32
        %get3A = arith.index_cast %mul3A_31 : i32 to index
        %get3A_32 = tpu.vector_load %arg14[%get3A] {strides = array<i32>} : memref<640xf32, #tpu.memory_space<vmem>>, vector<16xf32>,
        %get3A_33 = arith.index_cast %mul3A_31 : i32 to index
        %get3A_34 = tpu.vector_load %arg15[%get3A_33] {strides = array<i32>} : memref<640xf32, #tpu.memory_space<vmem>>, vector<16xf32>,
        %add3A_35 = arith.addf %get3A_32, %get3A_34 : vector<16xf32>
        %swap3A = arith.index_cast %mul3A_31 : i32 to index
        %swap3A_36 = tpu.vector_load %arg14[%swap3A] {strides = array<i32>} : memref<640xf32, #tpu.memory_space<vmem>>, vector<16xf32>,
        tpu.vector_store %arg14[%swap3A], %add3A_35 {strides = array<i32>} : memref<640xf32, #tpu.memory_space<vmem>>, vector<16xf32>,
      }
      %scan3A_28 = arith.constant 40 : i32
    }
    %scan3A_21 = arith.constant 15 : i32
    "tpu.region"() ({
      %run_scoped3A_22 = tpu.sem_alloc : memref<!tpu.dma_semaphore, #tpu.memory_space<semaphore_mem>>
      %dma_start3A = tpu.memref_slice %arg7[%arg0, %multiple_of3A] : memref<2x10240xf32, #tpu.memory_space<hbm>> -> memref<1x640xf32, #tpu.memory_space<hbm>>
      %dma_start3A_23 = tpu.memref_squeeze %dma_start3A : memref<1x640xf32, #tpu.memory_space<hbm>> -> memref<640xf32, #tpu.memory_space<hbm>>
      %dma_start3A_24 = tpu.memref_slice %arg7[%arg0, %multiple_of3A] : memref<2x10240xf32, #tpu.memory_space<hbm>> -> memref<1x640xf32, #tpu.memory_space<hbm>>
      %dma_start3A_25 = tpu.memref_squeeze %dma_start3A_24 : memref<1x640xf32, #tpu.memory_space<hbm>> -> memref<640xf32, #tpu.memory_space<hbm>>
      tpu.enqueue_dma source(%arg14 : memref<640xf32, #tpu.memory_space<vmem>>) target(%dma_start3A_25 : memref<640xf32, #tpu.memory_space<hbm>>) target_semaphore(%run_scoped3A_22 : memref<!tpu.dma_semaphore, #tpu.memory_space<semaphore_mem>>)
      %dma_wait3A = tpu.memref_slice %arg7[%arg0, %multiple_of3A] : memref<2x10240xf32, #tpu.memory_space<hbm>> -> memref<1x640xf32, #tpu.memory_space<hbm>>
      %dma_wait3A_26 = tpu.memref_squeeze %dma_wait3A : memref<1x640xf32, #tpu.memory_space<hbm>> -> memref<640xf32, #tpu.memory_space<hbm>>
      %dma_wait3A_27 = tpu.memref_slice %arg7[%arg0, %multiple_of3A] : memref<2x10240xf32, #tpu.memory_space<hbm>> -> memref<1x640xf32, #tpu.memory_space<hbm>>
      %dma_wait3A_28 = tpu.memref_squeeze %dma_wait3A_27 : memref<1x640xf32, #tpu.memory_space<hbm>> -> memref<640xf32, #tpu.memory_space<hbm>>
      tpu.wait_dma2 semaphore(%run_scoped3A_22 : memref<!tpu.dma_semaphore, #tpu.memory_space<semaphore_mem>>) src(%arg14 : memref<640xf32, #tpu.memory_space<vmem>>) dst(%dma_wait3A_28 : memref<640xf32, #tpu.memory_space<hbm>>)
      tpu.yield
    }) : () -> ()
    return
  }
}

#map = affine_map<(d0, d1) -> (0)>
#map1 = affine_map<(d0, d1) -> (0, 0)>
#map2 = affine_map<(d0, d1) -> (0, 0, 0)>
module attributes {stable_mosaic.version = 14 : i64} {
  func.func @_sc_pass_b(%arg0: i32, %arg1: i32, %arg2: memref<320000xi32, #tpu.memory_space<hbm>>, %arg3: memref<320000xi32, #tpu.memory_space<hbm>>, %arg4: memref<320000xf32, #tpu.memory_space<hbm>>, %arg5: memref<2x10240xf32, #tpu.memory_space<hbm>>, %arg6: memref<10000x128xf32, #tpu.memory_space<hbm>>, %arg7: memref<2x10240x128xf32, #tpu.memory_space<hbm>>, %arg8: memref<10240xf32, #tpu.memory_space<vmem>>, %arg9: memref<10240xf32, #tpu.memory_space<vmem>>, %arg10: memref<80xi32, #tpu.memory_space<vmem>>, %arg11: memref<80xi32, #tpu.memory_space<vmem>>, %arg12: memref<80xf32, #tpu.memory_space<vmem>>, %arg13: memref<128xf32, #tpu.memory_space<vmem>>, %arg14: memref<80x128xf32, #tpu.memory_space<vmem>>, %arg15: memref<128x128xf32, #tpu.memory_space<vmem>>, %arg16: memref<10240x128xf32, #tpu.memory_space<vmem_shared>>, %arg17: memref<!tpu.dma_semaphore, #tpu.memory_space<semaphore_mem>>) attributes {dimension_semantics = [#tpu.dimension_semantics<core_parallel>, #tpu.dimension_semantics<subcore_parallel>], iteration_bounds = array<i64: 2, 16>, scalar_prefetch = 0 : i64, scratch_operands = 10 : i64, tpu.core_type = #tpu.core_type<sc_vector_subcore>, window_params = [{transform_indices = #map}, {transform_indices = #map}, {transform_indices = #map}, {transform_indices = #map1}, {transform_indices = #map1}, {transform_indices = #map2}]} {
    %mul3A = arith.constant 2 : i32
    %mul3A_0 = arith.muli %arg1, %mul3A : i32
    %add3A = arith.addi %mul3A_0, %arg0 : i32
    %mul3A_1 = arith.constant 10000 : i32
    %mul3A_2 = arith.muli %add3A, %mul3A_1 : i32
    %run_scoped3A = arith.constant 0 : i32
    "tpu.region"() ({
      %run_scoped3A_71 = tpu.sem_alloc : memref<!tpu.dma_semaphore, #tpu.memory_space<semaphore_mem>>
      %dma_start3A = arith.constant 0 : i32
      %dma_start3A_72 = tpu.memref_slice %arg5[%run_scoped3A, %dma_start3A] : memref<2x10240xf32, #tpu.memory_space<hbm>> -> memref<1x10240xf32, #tpu.memory_space<hbm>>
      %dma_start3A_73 = tpu.memref_squeeze %dma_start3A_72 : memref<1x10240xf32, #tpu.memory_space<hbm>> -> memref<10240xf32, #tpu.memory_space<hbm>>
      %dma_start3A_74 = arith.constant 0 : i32
      %dma_start3A_75 = tpu.memref_slice %arg5[%run_scoped3A, %dma_start3A_74] : memref<2x10240xf32, #tpu.memory_space<hbm>> -> memref<1x10240xf32, #tpu.memory_space<hbm>>
      %dma_start3A_76 = tpu.memref_squeeze %dma_start3A_75 : memref<1x10240xf32, #tpu.memory_space<hbm>> -> memref<10240xf32, #tpu.memory_space<hbm>>
      tpu.enqueue_dma source(%dma_start3A_76 : memref<10240xf32, #tpu.memory_space<hbm>>) target(%arg8 : memref<10240xf32, #tpu.memory_space<vmem>>) target_semaphore(%run_scoped3A_71 : memref<!tpu.dma_semaphore, #tpu.memory_space<semaphore_mem>>)
      %dma_wait3A = arith.constant 0 : i32
      %dma_wait3A_77 = tpu.memref_slice %arg5[%run_scoped3A, %dma_wait3A] : memref<2x10240xf32, #tpu.memory_space<hbm>> -> memref<1x10240xf32, #tpu.memory_space<hbm>>
      %dma_wait3A_78 = tpu.memref_squeeze %dma_wait3A_77 : memref<1x10240xf32, #tpu.memory_space<hbm>> -> memref<10240xf32, #tpu.memory_space<hbm>>
      %dma_wait3A_79 = arith.constant 0 : i32
      %dma_wait3A_80 = tpu.memref_slice %arg5[%run_scoped3A, %dma_wait3A_79] : memref<2x10240xf32, #tpu.memory_space<hbm>> -> memref<1x10240xf32, #tpu.memory_space<hbm>>
      %dma_wait3A_81 = tpu.memref_squeeze %dma_wait3A_80 : memref<1x10240xf32, #tpu.memory_space<hbm>> -> memref<10240xf32, #tpu.memory_space<hbm>>
      tpu.wait_dma2 semaphore(%run_scoped3A_71 : memref<!tpu.dma_semaphore, #tpu.memory_space<semaphore_mem>>) src(%dma_wait3A_81 : memref<10240xf32, #tpu.memory_space<hbm>>) dst(%arg8 : memref<10240xf32, #tpu.memory_space<vmem>>)
      tpu.yield
    }) : () -> ()
    %run_scoped3A_3 = arith.constant 1 : i32
    "tpu.region"() ({
      %run_scoped3A_71 = tpu.sem_alloc : memref<!tpu.dma_semaphore, #tpu.memory_space<semaphore_mem>>
      %dma_start3A = arith.constant 0 : i32
      %dma_start3A_72 = tpu.memref_slice %arg5[%run_scoped3A_3, %dma_start3A] : memref<2x10240xf32, #tpu.memory_space<hbm>> -> memref<1x10240xf32, #tpu.memory_space<hbm>>
      %dma_start3A_73 = tpu.memref_squeeze %dma_start3A_72 : memref<1x10240xf32, #tpu.memory_space<hbm>> -> memref<10240xf32, #tpu.memory_space<hbm>>
      %dma_start3A_74 = arith.constant 0 : i32
      %dma_start3A_75 = tpu.memref_slice %arg5[%run_scoped3A_3, %dma_start3A_74] : memref<2x10240xf32, #tpu.memory_space<hbm>> -> memref<1x10240xf32, #tpu.memory_space<hbm>>
      %dma_start3A_76 = tpu.memref_squeeze %dma_start3A_75 : memref<1x10240xf32, #tpu.memory_space<hbm>> -> memref<10240xf32, #tpu.memory_space<hbm>>
      tpu.enqueue_dma source(%dma_start3A_76 : memref<10240xf32, #tpu.memory_space<hbm>>) target(%arg9 : memref<10240xf32, #tpu.memory_space<vmem>>) target_semaphore(%run_scoped3A_71 : memref<!tpu.dma_semaphore, #tpu.memory_space<semaphore_mem>>)
      %dma_wait3A = arith.constant 0 : i32
      %dma_wait3A_77 = tpu.memref_slice %arg5[%run_scoped3A_3, %dma_wait3A] : memref<2x10240xf32, #tpu.memory_space<hbm>> -> memref<1x10240xf32, #tpu.memory_space<hbm>>
      %dma_wait3A_78 = tpu.memref_squeeze %dma_wait3A_77 : memref<1x10240xf32, #tpu.memory_space<hbm>> -> memref<10240xf32, #tpu.memory_space<hbm>>
      %dma_wait3A_79 = arith.constant 0 : i32
      %dma_wait3A_80 = tpu.memref_slice %arg5[%run_scoped3A_3, %dma_wait3A_79] : memref<2x10240xf32, #tpu.memory_space<hbm>> -> memref<1x10240xf32, #tpu.memory_space<hbm>>
      %dma_wait3A_81 = tpu.memref_squeeze %dma_wait3A_80 : memref<1x10240xf32, #tpu.memory_space<hbm>> -> memref<10240xf32, #tpu.memory_space<hbm>>
      tpu.wait_dma2 semaphore(%run_scoped3A_71 : memref<!tpu.dma_semaphore, #tpu.memory_space<semaphore_mem>>) src(%dma_wait3A_81 : memref<10240xf32, #tpu.memory_space<hbm>>) dst(%arg9 : memref<10240xf32, #tpu.memory_space<vmem>>)
      tpu.yield
    }) : () -> ()
    %scan3A = arith.constant 0 : i32
    %scan3A_4 = arith.constant 0 : i32
    %scan3A_5 = arith.constant 640 : i32
    %scan3A_6 = arith.addi %scan3A_4, %scan3A_5 : i32
    %scan3A_7 = arith.constant 1 : i32
    scf.for %scan3A_71 = %scan3A_4 to %scan3A_6 step %scan3A_7  : i32 {
      %mul3A_72 = arith.constant 16 : i32
      %mul3A_73 = arith.muli %scan3A_71, %mul3A_72 : i32
      %get3A = arith.index_cast %mul3A_73 : i32 to index
      %get3A_74 = tpu.vector_load %arg8[%get3A] {strides = array<i32>} : memref<10240xf32, #tpu.memory_space<vmem>>, vector<16xf32>,
      %get3A_75 = arith.index_cast %mul3A_73 : i32 to index
      %get3A_76 = tpu.vector_load %arg9[%get3A_75] {strides = array<i32>} : memref<10240xf32, #tpu.memory_space<vmem>>, vector<16xf32>,
      %add3A_77 = arith.addf %get3A_74, %get3A_76 : vector<16xf32>
      %swap3A = arith.index_cast %mul3A_73 : i32 to index
      %swap3A_78 = tpu.vector_load %arg8[%swap3A] {strides = array<i32>} : memref<10240xf32, #tpu.memory_space<vmem>>, vector<16xf32>,
      tpu.vector_store %arg8[%swap3A], %add3A_77 {strides = array<i32>} : memref<10240xf32, #tpu.memory_space<vmem>>, vector<16xf32>,
    }
    %scan3A_8 = arith.constant 640 : i32
    %scan3A_9 = arith.constant 0 : i32
    %scan3A_10 = arith.constant 0 : i32
    %scan3A_11 = arith.constant 1024 : i32
    %scan3A_12 = arith.addi %scan3A_10, %scan3A_11 : i32
    %scan3A_13 = arith.constant 1 : i32
    scf.for %scan3A_71 = %scan3A_10 to %scan3A_12 step %scan3A_13  : i32 {
      %jit3A = arith.constant 8 : i32
      %div3A = arith.divsi %scan3A_71, %jit3A : i32
      %sign3A = arith.constant 0 : i32
      %sign3A_72 = arith.cmpi sgt, %scan3A_71, %sign3A : i32
      %sign3A_73 = arith.extui %sign3A_72 : i1 to i32
      %sign3A_74 = arith.constant 0 : i32
      %sign3A_75 = arith.cmpi slt, %scan3A_71, %sign3A_74 : i32
      %sign3A_76 = arith.extui %sign3A_75 : i1 to i32
      %sign3A_77 = arith.subi %sign3A_73, %sign3A_76 : i32
      %sign3A_78 = arith.constant 0 : i32
      %sign3A_79 = arith.cmpi sgt, %jit3A, %sign3A_78 : i32
      %sign3A_80 = arith.extui %sign3A_79 : i1 to i32
      %sign3A_81 = arith.constant 0 : i32
      %sign3A_82 = arith.cmpi slt, %jit3A, %sign3A_81 : i32
      %sign3A_83 = arith.extui %sign3A_82 : i1 to i32
      %sign3A_84 = arith.subi %sign3A_80, %sign3A_83 : i32
      %ne3A = arith.cmpi ne, %sign3A_77, %sign3A_84 : i32
      %rem3A = arith.remsi %scan3A_71, %jit3A : i32
      %ne3A_85 = arith.constant 0 : i32
      %ne3A_86 = arith.cmpi ne, %rem3A, %ne3A_85 : i32
      %and3A = arith.andi %ne3A, %ne3A_86 : i1
      %sub3A = arith.constant 1 : i32
      %sub3A_87 = arith.subi %div3A, %sub3A : i32
      %select_n3A = arith.select %and3A, %sub3A_87, %div3A : i32
      %jit3A_88 = arith.constant 8 : i32
      %eq3A = arith.constant 0 : i32
      %eq3A_89 = arith.cmpi eq, %jit3A_88, %eq3A : i32
      %jit3A_90 = arith.constant 1 : i32
      %select_n3A_91 = arith.select %eq3A_89, %jit3A_90, %jit3A_88 : i32
      %rem3A_92 = arith.remsi %scan3A_71, %select_n3A_91 : i32
      %ne3A_93 = arith.constant 0 : i32
      %ne3A_94 = arith.cmpi ne, %rem3A_92, %ne3A_93 : i32
      %lt3A = arith.constant 0 : i32
      %lt3A_95 = arith.cmpi slt, %rem3A_92, %lt3A : i32
      %lt3A_96 = arith.constant 0 : i32
      %lt3A_97 = arith.cmpi slt, %select_n3A_91, %lt3A_96 : i32
      %ne3A_98 = arith.xori %lt3A_95, %lt3A_97 : i1
      %and3A_99 = arith.andi %ne3A_98, %ne3A_94 : i1
      %add3A_100 = arith.addi %rem3A_92, %select_n3A_91 : i32
      %select_n3A_101 = arith.select %and3A_99, %add3A_100, %rem3A_92 : i32
      %broadcast_in_dim3A = arith.constant 0.000000e+00 : f32
      %broadcast_in_dim3A_102 = vector.broadcast %broadcast_in_dim3A : f32 to vector<16xf32>
      %mul3A_103 = arith.constant 16 : i32
      %mul3A_104 = arith.muli %select_n3A_101, %mul3A_103 : i32
      %swap3A = arith.index_cast %select_n3A : i32 to index
      %swap3A_105 = arith.index_cast %mul3A_104 : i32 to index
      %swap3A_106 = tpu.vector_load %arg15[%swap3A, %swap3A_105] {strides = array<i32>} : memref<128x128xf32, #tpu.memory_space<vmem>>, vector<16xf32>,
      tpu.vector_store %arg15[%swap3A, %swap3A_105], %broadcast_in_dim3A_102 {strides = array<i32>} : memref<128x128xf32, #tpu.memory_space<vmem>>, vector<16xf32>,
    }
    %scan3A_14 = arith.constant 1024 : i32
    %mul3A_15 = arith.constant 640 : i32
    %mul3A_16 = arith.muli %arg1, %mul3A_15 : i32
    %add3A_17 = arith.constant 0 : i32
    %add3A_18 = arith.addi %mul3A_16, %add3A_17 : i32
    %multiple_of3A = tpu.assume_multiple %add3A_18, 8 : i32
    "tpu.region"() ({
      %run_scoped3A_71 = tpu.sem_alloc : memref<!tpu.dma_semaphore, #tpu.memory_space<semaphore_mem>>
      %dma_start3A = arith.constant 0 : i32
      %dma_start3A_72 = tpu.memref_slice %arg16[%multiple_of3A, %dma_start3A] : memref<10240x128xf32, #tpu.memory_space<vmem_shared>> -> memref<128x128xf32, #tpu.memory_space<vmem_shared>>
      %dma_start3A_73 = arith.constant 0 : i32
      %dma_start3A_74 = tpu.memref_slice %arg16[%multiple_of3A, %dma_start3A_73] : memref<10240x128xf32, #tpu.memory_space<vmem_shared>> -> memref<128x128xf32, #tpu.memory_space<vmem_shared>>
      tpu.enqueue_dma source(%arg15 : memref<128x128xf32, #tpu.memory_space<vmem>>) target(%dma_start3A_74 : memref<128x128xf32, #tpu.memory_space<vmem_shared>>) target_semaphore(%run_scoped3A_71 : memref<!tpu.dma_semaphore, #tpu.memory_space<semaphore_mem>>)
      %dma_wait3A = arith.constant 0 : i32
      %dma_wait3A_75 = tpu.memref_slice %arg16[%multiple_of3A, %dma_wait3A] : memref<10240x128xf32, #tpu.memory_space<vmem_shared>> -> memref<128x128xf32, #tpu.memory_space<vmem_shared>>
      %dma_wait3A_76 = arith.constant 0 : i32
      %dma_wait3A_77 = tpu.memref_slice %arg16[%multiple_of3A, %dma_wait3A_76] : memref<10240x128xf32, #tpu.memory_space<vmem_shared>> -> memref<128x128xf32, #tpu.memory_space<vmem_shared>>
      tpu.wait_dma2 semaphore(%run_scoped3A_71 : memref<!tpu.dma_semaphore, #tpu.memory_space<semaphore_mem>>) src(%arg15 : memref<128x128xf32, #tpu.memory_space<vmem>>) dst(%dma_wait3A_77 : memref<128x128xf32, #tpu.memory_space<vmem_shared>>)
      tpu.yield
    }) : () -> ()
    %mul3A_19 = arith.constant 640 : i32
    %mul3A_20 = arith.muli %arg1, %mul3A_19 : i32
    %add3A_21 = arith.constant 128 : i32
    %add3A_22 = arith.addi %mul3A_20, %add3A_21 : i32
    %multiple_of3A_23 = tpu.assume_multiple %add3A_22, 8 : i32
    "tpu.region"() ({
      %run_scoped3A_71 = tpu.sem_alloc : memref<!tpu.dma_semaphore, #tpu.memory_space<semaphore_mem>>
      %dma_start3A = arith.constant 0 : i32
      %dma_start3A_72 = tpu.memref_slice %arg16[%multiple_of3A_23, %dma_start3A] : memref<10240x128xf32, #tpu.memory_space<vmem_shared>> -> memref<128x128xf32, #tpu.memory_space<vmem_shared>>
      %dma_start3A_73 = arith.constant 0 : i32
      %dma_start3A_74 = tpu.memref_slice %arg16[%multiple_of3A_23, %dma_start3A_73] : memref<10240x128xf32, #tpu.memory_space<vmem_shared>> -> memref<128x128xf32, #tpu.memory_space<vmem_shared>>
      tpu.enqueue_dma source(%arg15 : memref<128x128xf32, #tpu.memory_space<vmem>>) target(%dma_start3A_74 : memref<128x128xf32, #tpu.memory_space<vmem_shared>>) target_semaphore(%run_scoped3A_71 : memref<!tpu.dma_semaphore, #tpu.memory_space<semaphore_mem>>)
      %dma_wait3A = arith.constant 0 : i32
      %dma_wait3A_75 = tpu.memref_slice %arg16[%multiple_of3A_23, %dma_wait3A] : memref<10240x128xf32, #tpu.memory_space<vmem_shared>> -> memref<128x128xf32, #tpu.memory_space<vmem_shared>>
      %dma_wait3A_76 = arith.constant 0 : i32
      %dma_wait3A_77 = tpu.memref_slice %arg16[%multiple_of3A_23, %dma_wait3A_76] : memref<10240x128xf32, #tpu.memory_space<vmem_shared>> -> memref<128x128xf32, #tpu.memory_space<vmem_shared>>
      tpu.wait_dma2 semaphore(%run_scoped3A_71 : memref<!tpu.dma_semaphore, #tpu.memory_space<semaphore_mem>>) src(%arg15 : memref<128x128xf32, #tpu.memory_space<vmem>>) dst(%dma_wait3A_77 : memref<128x128xf32, #tpu.memory_space<vmem_shared>>)
      tpu.yield
    }) : () -> ()
    %mul3A_24 = arith.constant 640 : i32
    %mul3A_25 = arith.muli %arg1, %mul3A_24 : i32
    %add3A_26 = arith.constant 256 : i32
    %add3A_27 = arith.addi %mul3A_25, %add3A_26 : i32
    %multiple_of3A_28 = tpu.assume_multiple %add3A_27, 8 : i32
    "tpu.region"() ({
      %run_scoped3A_71 = tpu.sem_alloc : memref<!tpu.dma_semaphore, #tpu.memory_space<semaphore_mem>>
      %dma_start3A = arith.constant 0 : i32
      %dma_start3A_72 = tpu.memref_slice %arg16[%multiple_of3A_28, %dma_start3A] : memref<10240x128xf32, #tpu.memory_space<vmem_shared>> -> memref<128x128xf32, #tpu.memory_space<vmem_shared>>
      %dma_start3A_73 = arith.constant 0 : i32
      %dma_start3A_74 = tpu.memref_slice %arg16[%multiple_of3A_28, %dma_start3A_73] : memref<10240x128xf32, #tpu.memory_space<vmem_shared>> -> memref<128x128xf32, #tpu.memory_space<vmem_shared>>
      tpu.enqueue_dma source(%arg15 : memref<128x128xf32, #tpu.memory_space<vmem>>) target(%dma_start3A_74 : memref<128x128xf32, #tpu.memory_space<vmem_shared>>) target_semaphore(%run_scoped3A_71 : memref<!tpu.dma_semaphore, #tpu.memory_space<semaphore_mem>>)
      %dma_wait3A = arith.constant 0 : i32
      %dma_wait3A_75 = tpu.memref_slice %arg16[%multiple_of3A_28, %dma_wait3A] : memref<10240x128xf32, #tpu.memory_space<vmem_shared>> -> memref<128x128xf32, #tpu.memory_space<vmem_shared>>
      %dma_wait3A_76 = arith.constant 0 : i32
      %dma_wait3A_77 = tpu.memref_slice %arg16[%multiple_of3A_28, %dma_wait3A_76] : memref<10240x128xf32, #tpu.memory_space<vmem_shared>> -> memref<128x128xf32, #tpu.memory_space<vmem_shared>>
      tpu.wait_dma2 semaphore(%run_scoped3A_71 : memref<!tpu.dma_semaphore, #tpu.memory_space<semaphore_mem>>) src(%arg15 : memref<128x128xf32, #tpu.memory_space<vmem>>) dst(%dma_wait3A_77 : memref<128x128xf32, #tpu.memory_space<vmem_shared>>)
      tpu.yield
    }) : () -> ()
    %mul3A_29 = arith.constant 640 : i32
    %mul3A_30 = arith.muli %arg1, %mul3A_29 : i32
    %add3A_31 = arith.constant 384 : i32
    %add3A_32 = arith.addi %mul3A_30, %add3A_31 : i32
    %multiple_of3A_33 = tpu.assume_multiple %add3A_32, 8 : i32
    "tpu.region"() ({
      %run_scoped3A_71 = tpu.sem_alloc : memref<!tpu.dma_semaphore, #tpu.memory_space<semaphore_mem>>
      %dma_start3A = arith.constant 0 : i32
      %dma_start3A_72 = tpu.memref_slice %arg16[%multiple_of3A_33, %dma_start3A] : memref<10240x128xf32, #tpu.memory_space<vmem_shared>> -> memref<128x128xf32, #tpu.memory_space<vmem_shared>>
      %dma_start3A_73 = arith.constant 0 : i32
      %dma_start3A_74 = tpu.memref_slice %arg16[%multiple_of3A_33, %dma_start3A_73] : memref<10240x128xf32, #tpu.memory_space<vmem_shared>> -> memref<128x128xf32, #tpu.memory_space<vmem_shared>>
      tpu.enqueue_dma source(%arg15 : memref<128x128xf32, #tpu.memory_space<vmem>>) target(%dma_start3A_74 : memref<128x128xf32, #tpu.memory_space<vmem_shared>>) target_semaphore(%run_scoped3A_71 : memref<!tpu.dma_semaphore, #tpu.memory_space<semaphore_mem>>)
      %dma_wait3A = arith.constant 0 : i32
      %dma_wait3A_75 = tpu.memref_slice %arg16[%multiple_of3A_33, %dma_wait3A] : memref<10240x128xf32, #tpu.memory_space<vmem_shared>> -> memref<128x128xf32, #tpu.memory_space<vmem_shared>>
      %dma_wait3A_76 = arith.constant 0 : i32
      %dma_wait3A_77 = tpu.memref_slice %arg16[%multiple_of3A_33, %dma_wait3A_76] : memref<10240x128xf32, #tpu.memory_space<vmem_shared>> -> memref<128x128xf32, #tpu.memory_space<vmem_shared>>
      tpu.wait_dma2 semaphore(%run_scoped3A_71 : memref<!tpu.dma_semaphore, #tpu.memory_space<semaphore_mem>>) src(%arg15 : memref<128x128xf32, #tpu.memory_space<vmem>>) dst(%dma_wait3A_77 : memref<128x128xf32, #tpu.memory_space<vmem_shared>>)
      tpu.yield
    }) : () -> ()
    %mul3A_34 = arith.constant 640 : i32
    %mul3A_35 = arith.muli %arg1, %mul3A_34 : i32
    %add3A_36 = arith.constant 512 : i32
    %add3A_37 = arith.addi %mul3A_35, %add3A_36 : i32
    %multiple_of3A_38 = tpu.assume_multiple %add3A_37, 8 : i32
    "tpu.region"() ({
      %run_scoped3A_71 = tpu.sem_alloc : memref<!tpu.dma_semaphore, #tpu.memory_space<semaphore_mem>>
      %dma_start3A = arith.constant 0 : i32
      %dma_start3A_72 = tpu.memref_slice %arg16[%multiple_of3A_38, %dma_start3A] : memref<10240x128xf32, #tpu.memory_space<vmem_shared>> -> memref<128x128xf32, #tpu.memory_space<vmem_shared>>
      %dma_start3A_73 = arith.constant 0 : i32
      %dma_start3A_74 = tpu.memref_slice %arg16[%multiple_of3A_38, %dma_start3A_73] : memref<10240x128xf32, #tpu.memory_space<vmem_shared>> -> memref<128x128xf32, #tpu.memory_space<vmem_shared>>
      tpu.enqueue_dma source(%arg15 : memref<128x128xf32, #tpu.memory_space<vmem>>) target(%dma_start3A_74 : memref<128x128xf32, #tpu.memory_space<vmem_shared>>) target_semaphore(%run_scoped3A_71 : memref<!tpu.dma_semaphore, #tpu.memory_space<semaphore_mem>>)
      %dma_wait3A = arith.constant 0 : i32
      %dma_wait3A_75 = tpu.memref_slice %arg16[%multiple_of3A_38, %dma_wait3A] : memref<10240x128xf32, #tpu.memory_space<vmem_shared>> -> memref<128x128xf32, #tpu.memory_space<vmem_shared>>
      %dma_wait3A_76 = arith.constant 0 : i32
      %dma_wait3A_77 = tpu.memref_slice %arg16[%multiple_of3A_38, %dma_wait3A_76] : memref<10240x128xf32, #tpu.memory_space<vmem_shared>> -> memref<128x128xf32, #tpu.memory_space<vmem_shared>>
      tpu.wait_dma2 semaphore(%run_scoped3A_71 : memref<!tpu.dma_semaphore, #tpu.memory_space<semaphore_mem>>) src(%arg15 : memref<128x128xf32, #tpu.memory_space<vmem>>) dst(%dma_wait3A_77 : memref<128x128xf32, #tpu.memory_space<vmem_shared>>)
      tpu.yield
    }) : () -> ()
    %barrier3A = arith.constant 0 : index
    tpu.barrier barrier_id(%barrier3A)
    %scan3A_39 = arith.constant 0 : i32
    %scan3A_40 = arith.constant 0 : i32
    %scan3A_41 = arith.constant 125 : i32
    %scan3A_42 = arith.addi %scan3A_40, %scan3A_41 : i32
    %scan3A_43 = arith.constant 1 : i32
    scf.for %scan3A_71 = %scan3A_40 to %scan3A_42 step %scan3A_43  : i32 {
      %mul3A_72 = arith.constant 80 : i32
      %mul3A_73 = arith.muli %scan3A_71, %mul3A_72 : i32
      %add3A_74 = arith.addi %mul3A_2, %mul3A_73 : i32
      %multiple_of3A_75 = tpu.assume_multiple %add3A_74, 8 : i32
      "tpu.region"() ({
        %run_scoped3A_137 = tpu.sem_alloc : memref<!tpu.dma_semaphore, #tpu.memory_space<semaphore_mem>>
        %dma_start3A_138 = tpu.memref_slice %arg2[%multiple_of3A_75] : memref<320000xi32, #tpu.memory_space<hbm>> -> memref<80xi32, #tpu.memory_space<hbm>>
        %dma_start3A_139 = tpu.memref_slice %arg2[%multiple_of3A_75] : memref<320000xi32, #tpu.memory_space<hbm>> -> memref<80xi32, #tpu.memory_space<hbm>>
        tpu.enqueue_dma source(%dma_start3A_139 : memref<80xi32, #tpu.memory_space<hbm>>) target(%arg10 : memref<80xi32, #tpu.memory_space<vmem>>) target_semaphore(%run_scoped3A_137 : memref<!tpu.dma_semaphore, #tpu.memory_space<semaphore_mem>>)
        %dma_wait3A_140 = tpu.memref_slice %arg2[%multiple_of3A_75] : memref<320000xi32, #tpu.memory_space<hbm>> -> memref<80xi32, #tpu.memory_space<hbm>>
        %dma_wait3A_141 = tpu.memref_slice %arg2[%multiple_of3A_75] : memref<320000xi32, #tpu.memory_space<hbm>> -> memref<80xi32, #tpu.memory_space<hbm>>
        tpu.wait_dma2 semaphore(%run_scoped3A_137 : memref<!tpu.dma_semaphore, #tpu.memory_space<semaphore_mem>>) src(%dma_wait3A_141 : memref<80xi32, #tpu.memory_space<hbm>>) dst(%arg10 : memref<80xi32, #tpu.memory_space<vmem>>)
        tpu.yield
      }) : () -> ()
      "tpu.region"() ({
        %run_scoped3A_137 = tpu.sem_alloc : memref<!tpu.dma_semaphore, #tpu.memory_space<semaphore_mem>>
        %dma_start3A_138 = tpu.memref_slice %arg3[%multiple_of3A_75] : memref<320000xi32, #tpu.memory_space<hbm>> -> memref<80xi32, #tpu.memory_space<hbm>>
        %dma_start3A_139 = tpu.memref_slice %arg3[%multiple_of3A_75] : memref<320000xi32, #tpu.memory_space<hbm>> -> memref<80xi32, #tpu.memory_space<hbm>>
        tpu.enqueue_dma source(%dma_start3A_139 : memref<80xi32, #tpu.memory_space<hbm>>) target(%arg11 : memref<80xi32, #tpu.memory_space<vmem>>) target_semaphore(%run_scoped3A_137 : memref<!tpu.dma_semaphore, #tpu.memory_space<semaphore_mem>>)
        %dma_wait3A_140 = tpu.memref_slice %arg3[%multiple_of3A_75] : memref<320000xi32, #tpu.memory_space<hbm>> -> memref<80xi32, #tpu.memory_space<hbm>>
        %dma_wait3A_141 = tpu.memref_slice %arg3[%multiple_of3A_75] : memref<320000xi32, #tpu.memory_space<hbm>> -> memref<80xi32, #tpu.memory_space<hbm>>
        tpu.wait_dma2 semaphore(%run_scoped3A_137 : memref<!tpu.dma_semaphore, #tpu.memory_space<semaphore_mem>>) src(%dma_wait3A_141 : memref<80xi32, #tpu.memory_space<hbm>>) dst(%arg11 : memref<80xi32, #tpu.memory_space<vmem>>)
        tpu.yield
      }) : () -> ()
      "tpu.region"() ({
        %run_scoped3A_137 = tpu.sem_alloc : memref<!tpu.dma_semaphore, #tpu.memory_space<semaphore_mem>>
        %dma_start3A_138 = tpu.memref_slice %arg4[%multiple_of3A_75] : memref<320000xf32, #tpu.memory_space<hbm>> -> memref<80xf32, #tpu.memory_space<hbm>>
        %dma_start3A_139 = tpu.memref_slice %arg4[%multiple_of3A_75] : memref<320000xf32, #tpu.memory_space<hbm>> -> memref<80xf32, #tpu.memory_space<hbm>>
        tpu.enqueue_dma source(%dma_start3A_139 : memref<80xf32, #tpu.memory_space<hbm>>) target(%arg12 : memref<80xf32, #tpu.memory_space<vmem>>) target_semaphore(%run_scoped3A_137 : memref<!tpu.dma_semaphore, #tpu.memory_space<semaphore_mem>>)
        %dma_wait3A_140 = tpu.memref_slice %arg4[%multiple_of3A_75] : memref<320000xf32, #tpu.memory_space<hbm>> -> memref<80xf32, #tpu.memory_space<hbm>>
        %dma_wait3A_141 = tpu.memref_slice %arg4[%multiple_of3A_75] : memref<320000xf32, #tpu.memory_space<hbm>> -> memref<80xf32, #tpu.memory_space<hbm>>
        tpu.wait_dma2 semaphore(%run_scoped3A_137 : memref<!tpu.dma_semaphore, #tpu.memory_space<semaphore_mem>>) src(%dma_wait3A_141 : memref<80xf32, #tpu.memory_space<hbm>>) dst(%arg12 : memref<80xf32, #tpu.memory_space<vmem>>)
        tpu.yield
      }) : () -> ()
      %dma_start3A = arith.constant 0 : i32
      %dma_start3A_76 = arith.constant 0 : i32
      %dma_start3A_77 = tpu.memref_slice %arg6[%dma_start3A, %dma_start3A_76] : memref<10000x128xf32, #tpu.memory_space<hbm>> -> memref<10000x128xf32, #tpu.memory_space<hbm>>
      tpu.enqueue_indirect_dma source(%dma_start3A_77 : memref<10000x128xf32, #tpu.memory_space<hbm>>) target(%arg14 : memref<80x128xf32, #tpu.memory_space<vmem>>) offsets(%arg11 : memref<80xi32, #tpu.memory_space<vmem>>) semaphore(%arg17 : memref<!tpu.dma_semaphore, #tpu.memory_space<semaphore_mem>>)
      %dma_wait3A = arith.constant 0 : i32
      %dma_wait3A_78 = arith.constant 0 : i32
      %dma_wait3A_79 = tpu.memref_slice %arg6[%dma_wait3A, %dma_wait3A_78] : memref<10000x128xf32, #tpu.memory_space<hbm>> -> memref<10000x128xf32, #tpu.memory_space<hbm>>
      tpu.wait_indirect_dma semaphore(%arg17 : memref<!tpu.dma_semaphore, #tpu.memory_space<semaphore_mem>>) src(%dma_wait3A_79 : memref<10000x128xf32, #tpu.memory_space<hbm>>) dst(%arg14 : memref<80x128xf32, #tpu.memory_space<vmem>>)
      %get3A = arith.constant 0 : index
      %get3A_80 = tpu.vector_load %arg10[%get3A] {strides = array<i32>} : memref<80xi32, #tpu.memory_space<vmem>>, vector<16xi32>,
      %gather3A = tpu.vector_load_idx %arg8[%get3A_80] : memref<10240xf32, #tpu.memory_space<vmem>>[vector<16xi32>], vector<16xf32>,
      %get3A_81 = arith.constant 0 : index
      %get3A_82 = tpu.vector_load %arg12[%get3A_81] {strides = array<i32>} : memref<80xf32, #tpu.memory_space<vmem>>, vector<16xf32>,
      %add3A_83 = arith.constant 1.000000e-16 : f32
      %add3A_84 = vector.broadcast %add3A_83 : f32 to vector<16xf32>
      %add3A_85 = arith.addf %gather3A, %add3A_84 : vector<16xf32>
      %div3A = arith.divf %get3A_82, %add3A_85 : vector<16xf32>
      %swap3A = arith.constant 0 : index
      %swap3A_86 = tpu.vector_load %arg13[%swap3A] {strides = array<i32>} : memref<128xf32, #tpu.memory_space<vmem>>, vector<16xf32>,
      tpu.vector_store %arg13[%swap3A], %div3A {strides = array<i32>} : memref<128xf32, #tpu.memory_space<vmem>>, vector<16xf32>,
      %get3A_87 = arith.constant 16 : index
      %get3A_88 = tpu.vector_load %arg10[%get3A_87] {strides = array<i32>} : memref<80xi32, #tpu.memory_space<vmem>>, vector<16xi32>,
      %gather3A_89 = tpu.vector_load_idx %arg8[%get3A_88] : memref<10240xf32, #tpu.memory_space<vmem>>[vector<16xi32>], vector<16xf32>,
      %get3A_90 = arith.constant 16 : index
      %get3A_91 = tpu.vector_load %arg12[%get3A_90] {strides = array<i32>} : memref<80xf32, #tpu.memory_space<vmem>>, vector<16xf32>,
      %add3A_92 = arith.constant 1.000000e-16 : f32
      %add3A_93 = vector.broadcast %add3A_92 : f32 to vector<16xf32>
      %add3A_94 = arith.addf %gather3A_89, %add3A_93 : vector<16xf32>
      %div3A_95 = arith.divf %get3A_91, %add3A_94 : vector<16xf32>
      %swap3A_96 = arith.constant 16 : index
      %swap3A_97 = tpu.vector_load %arg13[%swap3A_96] {strides = array<i32>} : memref<128xf32, #tpu.memory_space<vmem>>, vector<16xf32>,
      tpu.vector_store %arg13[%swap3A_96], %div3A_95 {strides = array<i32>} : memref<128xf32, #tpu.memory_space<vmem>>, vector<16xf32>,
      %get3A_98 = arith.constant 32 : index
      %get3A_99 = tpu.vector_load %arg10[%get3A_98] {strides = array<i32>} : memref<80xi32, #tpu.memory_space<vmem>>, vector<16xi32>,
      %gather3A_100 = tpu.vector_load_idx %arg8[%get3A_99] : memref<10240xf32, #tpu.memory_space<vmem>>[vector<16xi32>], vector<16xf32>,
      %get3A_101 = arith.constant 32 : index
      %get3A_102 = tpu.vector_load %arg12[%get3A_101] {strides = array<i32>} : memref<80xf32, #tpu.memory_space<vmem>>, vector<16xf32>,
      %add3A_103 = arith.constant 1.000000e-16 : f32
      %add3A_104 = vector.broadcast %add3A_103 : f32 to vector<16xf32>
      %add3A_105 = arith.addf %gather3A_100, %add3A_104 : vector<16xf32>
      %div3A_106 = arith.divf %get3A_102, %add3A_105 : vector<16xf32>
      %swap3A_107 = arith.constant 32 : index
      %swap3A_108 = tpu.vector_load %arg13[%swap3A_107] {strides = array<i32>} : memref<128xf32, #tpu.memory_space<vmem>>, vector<16xf32>,
      tpu.vector_store %arg13[%swap3A_107], %div3A_106 {strides = array<i32>} : memref<128xf32, #tpu.memory_space<vmem>>, vector<16xf32>,
      %get3A_109 = arith.constant 48 : index
      %get3A_110 = tpu.vector_load %arg10[%get3A_109] {strides = array<i32>} : memref<80xi32, #tpu.memory_space<vmem>>, vector<16xi32>,
      %gather3A_111 = tpu.vector_load_idx %arg8[%get3A_110] : memref<10240xf32, #tpu.memory_space<vmem>>[vector<16xi32>], vector<16xf32>,
      %get3A_112 = arith.constant 48 : index
      %get3A_113 = tpu.vector_load %arg12[%get3A_112] {strides = array<i32>} : memref<80xf32, #tpu.memory_space<vmem>>, vector<16xf32>,
      %add3A_114 = arith.constant 1.000000e-16 : f32
      %add3A_115 = vector.broadcast %add3A_114 : f32 to vector<16xf32>
      %add3A_116 = arith.addf %gather3A_111, %add3A_115 : vector<16xf32>
      %div3A_117 = arith.divf %get3A_113, %add3A_116 : vector<16xf32>
      %swap3A_118 = arith.constant 48 : index
      %swap3A_119 = tpu.vector_load %arg13[%swap3A_118] {strides = array<i32>} : memref<128xf32, #tpu.memory_space<vmem>>, vector<16xf32>,
      tpu.vector_store %arg13[%swap3A_118], %div3A_117 {strides = array<i32>} : memref<128xf32, #tpu.memory_space<vmem>>, vector<16xf32>,
      %get3A_120 = arith.constant 64 : index
      %get3A_121 = tpu.vector_load %arg10[%get3A_120] {strides = array<i32>} : memref<80xi32, #tpu.memory_space<vmem>>, vector<16xi32>,
      %gather3A_122 = tpu.vector_load_idx %arg8[%get3A_121] : memref<10240xf32, #tpu.memory_space<vmem>>[vector<16xi32>], vector<16xf32>,
      %get3A_123 = arith.constant 64 : index
      %get3A_124 = tpu.vector_load %arg12[%get3A_123] {strides = array<i32>} : memref<80xf32, #tpu.memory_space<vmem>>, vector<16xf32>,
      %add3A_125 = arith.constant 1.000000e-16 : f32
      %add3A_126 = vector.broadcast %add3A_125 : f32 to vector<16xf32>
      %add3A_127 = arith.addf %gather3A_122, %add3A_126 : vector<16xf32>
      %div3A_128 = arith.divf %get3A_124, %add3A_127 : vector<16xf32>
      %swap3A_129 = arith.constant 64 : index
      %swap3A_130 = tpu.vector_load %arg13[%swap3A_129] {strides = array<i32>} : memref<128xf32, #tpu.memory_space<vmem>>, vector<16xf32>,
      tpu.vector_store %arg13[%swap3A_129], %div3A_128 {strides = array<i32>} : memref<128xf32, #tpu.memory_space<vmem>>, vector<16xf32>,
      %scan3A_131 = arith.constant 0 : i32
      %scan3A_132 = arith.constant 0 : i32
      %scan3A_133 = arith.constant 80 : i32
      %scan3A_134 = arith.addi %scan3A_132, %scan3A_133 : i32
      %scan3A_135 = arith.constant 1 : i32
      scf.for %scan3A_137 = %scan3A_132 to %scan3A_134 step %scan3A_135  : i32 {
        %broadcast_in_dim3A = vector.broadcast %scan3A_137 : i32 to vector<16xi32>
        %gather3A_138 = tpu.vector_load_idx %arg13[%broadcast_in_dim3A] : memref<128xf32, #tpu.memory_space<vmem>>[vector<16xi32>], vector<16xf32>,
        %get3A_139 = arith.index_cast %scan3A_137 : i32 to index
        %get3A_140 = arith.constant 0 : index
        %get3A_141 = tpu.vector_load %arg14[%get3A_139, %get3A_140] {strides = array<i32>} : memref<80x128xf32, #tpu.memory_space<vmem>>, vector<16xf32>,
        %mul3A_142 = arith.mulf %get3A_141, %gather3A_138 : vector<16xf32>
        %swap3A_143 = arith.index_cast %scan3A_137 : i32 to index
        %swap3A_144 = arith.constant 0 : index
        %swap3A_145 = tpu.vector_load %arg14[%swap3A_143, %swap3A_144] {strides = array<i32>} : memref<80x128xf32, #tpu.memory_space<vmem>>, vector<16xf32>,
        tpu.vector_store %arg14[%swap3A_143, %swap3A_144], %mul3A_142 {strides = array<i32>} : memref<80x128xf32, #tpu.memory_space<vmem>>, vector<16xf32>,
        %get3A_146 = arith.index_cast %scan3A_137 : i32 to index
        %get3A_147 = arith.constant 16 : index
        %get3A_148 = tpu.vector_load %arg14[%get3A_146, %get3A_147] {strides = array<i32>} : memref<80x128xf32, #tpu.memory_space<vmem>>, vector<16xf32>,
        %mul3A_149 = arith.mulf %get3A_148, %gather3A_138 : vector<16xf32>
        %swap3A_150 = arith.index_cast %scan3A_137 : i32 to index
        %swap3A_151 = arith.constant 16 : index
        %swap3A_152 = tpu.vector_load %arg14[%swap3A_150, %swap3A_151] {strides = array<i32>} : memref<80x128xf32, #tpu.memory_space<vmem>>, vector<16xf32>,
        tpu.vector_store %arg14[%swap3A_150, %swap3A_151], %mul3A_149 {strides = array<i32>} : memref<80x128xf32, #tpu.memory_space<vmem>>, vector<16xf32>,
        %get3A_153 = arith.index_cast %scan3A_137 : i32 to index
        %get3A_154 = arith.constant 32 : index
        %get3A_155 = tpu.vector_load %arg14[%get3A_153, %get3A_154] {strides = array<i32>} : memref<80x128xf32, #tpu.memory_space<vmem>>, vector<16xf32>,
        %mul3A_156 = arith.mulf %get3A_155, %gather3A_138 : vector<16xf32>
        %swap3A_157 = arith.index_cast %scan3A_137 : i32 to index
        %swap3A_158 = arith.constant 32 : index
        %swap3A_159 = tpu.vector_load %arg14[%swap3A_157, %swap3A_158] {strides = array<i32>} : memref<80x128xf32, #tpu.memory_space<vmem>>, vector<16xf32>,
        tpu.vector_store %arg14[%swap3A_157, %swap3A_158], %mul3A_156 {strides = array<i32>} : memref<80x128xf32, #tpu.memory_space<vmem>>, vector<16xf32>,
        %get3A_160 = arith.index_cast %scan3A_137 : i32 to index
        %get3A_161 = arith.constant 48 : index
        %get3A_162 = tpu.vector_load %arg14[%get3A_160, %get3A_161] {strides = array<i32>} : memref<80x128xf32, #tpu.memory_space<vmem>>, vector<16xf32>,
        %mul3A_163 = arith.mulf %get3A_162, %gather3A_138 : vector<16xf32>
        %swap3A_164 = arith.index_cast %scan3A_137 : i32 to index
        %swap3A_165 = arith.constant 48 : index
        %swap3A_166 = tpu.vector_load %arg14[%swap3A_164, %swap3A_165] {strides = array<i32>} : memref<80x128xf32, #tpu.memory_space<vmem>>, vector<16xf32>,
        tpu.vector_store %arg14[%swap3A_164, %swap3A_165], %mul3A_163 {strides = array<i32>} : memref<80x128xf32, #tpu.memory_space<vmem>>, vector<16xf32>,
        %get3A_167 = arith.index_cast %scan3A_137 : i32 to index
        %get3A_168 = arith.constant 64 : index
        %get3A_169 = tpu.vector_load %arg14[%get3A_167, %get3A_168] {strides = array<i32>} : memref<80x128xf32, #tpu.memory_space<vmem>>, vector<16xf32>,
        %mul3A_170 = arith.mulf %get3A_169, %gather3A_138 : vector<16xf32>
        %swap3A_171 = arith.index_cast %scan3A_137 : i32 to index
        %swap3A_172 = arith.constant 64 : index
        %swap3A_173 = tpu.vector_load %arg14[%swap3A_171, %swap3A_172] {strides = array<i32>} : memref<80x128xf32, #tpu.memory_space<vmem>>, vector<16xf32>,
        tpu.vector_store %arg14[%swap3A_171, %swap3A_172], %mul3A_170 {strides = array<i32>} : memref<80x128xf32, #tpu.memory_space<vmem>>, vector<16xf32>,
        %get3A_174 = arith.index_cast %scan3A_137 : i32 to index
        %get3A_175 = arith.constant 80 : index
        %get3A_176 = tpu.vector_load %arg14[%get3A_174, %get3A_175] {strides = array<i32>} : memref<80x128xf32, #tpu.memory_space<vmem>>, vector<16xf32>,
        %mul3A_177 = arith.mulf %get3A_176, %gather3A_138 : vector<16xf32>
        %swap3A_178 = arith.index_cast %scan3A_137 : i32 to index
        %swap3A_179 = arith.constant 80 : index
        %swap3A_180 = tpu.vector_load %arg14[%swap3A_178, %swap3A_179] {strides = array<i32>} : memref<80x128xf32, #tpu.memory_space<vmem>>, vector<16xf32>,
        tpu.vector_store %arg14[%swap3A_178, %swap3A_179], %mul3A_177 {strides = array<i32>} : memref<80x128xf32, #tpu.memory_space<vmem>>, vector<16xf32>,
        %get3A_181 = arith.index_cast %scan3A_137 : i32 to index
        %get3A_182 = arith.constant 96 : index
        %get3A_183 = tpu.vector_load %arg14[%get3A_181, %get3A_182] {strides = array<i32>} : memref<80x128xf32, #tpu.memory_space<vmem>>, vector<16xf32>,
        %mul3A_184 = arith.mulf %get3A_183, %gather3A_138 : vector<16xf32>
        %swap3A_185 = arith.index_cast %scan3A_137 : i32 to index
        %swap3A_186 = arith.constant 96 : index
        %swap3A_187 = tpu.vector_load %arg14[%swap3A_185, %swap3A_186] {strides = array<i32>} : memref<80x128xf32, #tpu.memory_space<vmem>>, vector<16xf32>,
        tpu.vector_store %arg14[%swap3A_185, %swap3A_186], %mul3A_184 {strides = array<i32>} : memref<80x128xf32, #tpu.memory_space<vmem>>, vector<16xf32>,
        %get3A_188 = arith.index_cast %scan3A_137 : i32 to index
        %get3A_189 = arith.constant 112 : index
        %get3A_190 = tpu.vector_load %arg14[%get3A_188, %get3A_189] {strides = array<i32>} : memref<80x128xf32, #tpu.memory_space<vmem>>, vector<16xf32>,
        %mul3A_191 = arith.mulf %get3A_190, %gather3A_138 : vector<16xf32>
        %swap3A_192 = arith.index_cast %scan3A_137 : i32 to index
        %swap3A_193 = arith.constant 112 : index
        %swap3A_194 = tpu.vector_load %arg14[%swap3A_192, %swap3A_193] {strides = array<i32>} : memref<80x128xf32, #tpu.memory_space<vmem>>, vector<16xf32>,
        tpu.vector_store %arg14[%swap3A_192, %swap3A_193], %mul3A_191 {strides = array<i32>} : memref<80x128xf32, #tpu.memory_space<vmem>>, vector<16xf32>,
      }
      %scan3A_136 = arith.constant 80 : i32
      "tpu.region"() ({
        %run_scoped3A_137 = tpu.sem_alloc : memref<!tpu.dma_semaphore, #tpu.memory_space<semaphore_mem>>
        %dma_start3A_138 = arith.constant 0 : i32
        %dma_start3A_139 = arith.constant 0 : i32
        %dma_start3A_140 = tpu.memref_slice %arg16[%dma_start3A_138, %dma_start3A_139] : memref<10240x128xf32, #tpu.memory_space<vmem_shared>> -> memref<10240x128xf32, #tpu.memory_space<vmem_shared>>
        tpu.enqueue_indirect_dma source(%arg14 : memref<80x128xf32, #tpu.memory_space<vmem>>) target(%dma_start3A_140 : memref<10240x128xf32, #tpu.memory_space<vmem_shared>>) offsets(%arg10 : memref<80xi32, #tpu.memory_space<vmem>>) semaphore(%run_scoped3A_137 : memref<!tpu.dma_semaphore, #tpu.memory_space<semaphore_mem>>) {add = true}
        %dma_wait3A_141 = arith.constant 0 : i32
        %dma_wait3A_142 = arith.constant 0 : i32
        %dma_wait3A_143 = tpu.memref_slice %arg16[%dma_wait3A_141, %dma_wait3A_142] : memref<10240x128xf32, #tpu.memory_space<vmem_shared>> -> memref<10240x128xf32, #tpu.memory_space<vmem_shared>>
        tpu.wait_indirect_dma semaphore(%run_scoped3A_137 : memref<!tpu.dma_semaphore, #tpu.memory_space<semaphore_mem>>) src(%arg14 : memref<80x128xf32, #tpu.memory_space<vmem>>) dst(%dma_wait3A_143 : memref<10240x128xf32, #tpu.memory_space<vmem_shared>>)
        tpu.yield
      }) : () -> ()
    }
    %scan3A_44 = arith.constant 125 : i32
    %barrier3A_45 = arith.constant 0 : index
    tpu.barrier barrier_id(%barrier3A_45)
    %mul3A_46 = arith.constant 640 : i32
    %mul3A_47 = arith.muli %arg1, %mul3A_46 : i32
    %add3A_48 = arith.constant 0 : i32
    %add3A_49 = arith.addi %mul3A_47, %add3A_48 : i32
    %multiple_of3A_50 = tpu.assume_multiple %add3A_49, 8 : i32
    "tpu.region"() ({
      %run_scoped3A_71 = tpu.sem_alloc : memref<!tpu.dma_semaphore, #tpu.memory_space<semaphore_mem>>
      %dma_start3A = arith.constant 0 : i32
      %dma_start3A_72 = tpu.memref_slice %arg16[%multiple_of3A_50, %dma_start3A] : memref<10240x128xf32, #tpu.memory_space<vmem_shared>> -> memref<128x128xf32, #tpu.memory_space<vmem_shared>>
      %dma_start3A_73 = arith.constant 0 : i32
      %dma_start3A_74 = tpu.memref_slice %arg16[%multiple_of3A_50, %dma_start3A_73] : memref<10240x128xf32, #tpu.memory_space<vmem_shared>> -> memref<128x128xf32, #tpu.memory_space<vmem_shared>>
      tpu.enqueue_dma source(%dma_start3A_74 : memref<128x128xf32, #tpu.memory_space<vmem_shared>>) target(%arg15 : memref<128x128xf32, #tpu.memory_space<vmem>>) target_semaphore(%run_scoped3A_71 : memref<!tpu.dma_semaphore, #tpu.memory_space<semaphore_mem>>)
      %dma_wait3A = arith.constant 0 : i32
      %dma_wait3A_75 = tpu.memref_slice %arg16[%multiple_of3A_50, %dma_wait3A] : memref<10240x128xf32, #tpu.memory_space<vmem_shared>> -> memref<128x128xf32, #tpu.memory_space<vmem_shared>>
      %dma_wait3A_76 = arith.constant 0 : i32
      %dma_wait3A_77 = tpu.memref_slice %arg16[%multiple_of3A_50, %dma_wait3A_76] : memref<10240x128xf32, #tpu.memory_space<vmem_shared>> -> memref<128x128xf32, #tpu.memory_space<vmem_shared>>
      tpu.wait_dma2 semaphore(%run_scoped3A_71 : memref<!tpu.dma_semaphore, #tpu.memory_space<semaphore_mem>>) src(%dma_wait3A_77 : memref<128x128xf32, #tpu.memory_space<vmem_shared>>) dst(%arg15 : memref<128x128xf32, #tpu.memory_space<vmem>>)
      tpu.yield
    }) : () -> ()
    "tpu.region"() ({
      %run_scoped3A_71 = tpu.sem_alloc : memref<!tpu.dma_semaphore, #tpu.memory_space<semaphore_mem>>
      %dma_start3A = arith.constant 0 : i32
      %dma_start3A_72 = tpu.memref_slice %arg7[%arg0, %multiple_of3A_50, %dma_start3A] : memref<2x10240x128xf32, #tpu.memory_space<hbm>> -> memref<1x128x128xf32, #tpu.memory_space<hbm>>
      %dma_start3A_73 = tpu.memref_squeeze %dma_start3A_72 : memref<1x128x128xf32, #tpu.memory_space<hbm>> -> memref<128x128xf32, #tpu.memory_space<hbm>>
      %dma_start3A_74 = arith.constant 0 : i32
      %dma_start3A_75 = tpu.memref_slice %arg7[%arg0, %multiple_of3A_50, %dma_start3A_74] : memref<2x10240x128xf32, #tpu.memory_space<hbm>> -> memref<1x128x128xf32, #tpu.memory_space<hbm>>
      %dma_start3A_76 = tpu.memref_squeeze %dma_start3A_75 : memref<1x128x128xf32, #tpu.memory_space<hbm>> -> memref<128x128xf32, #tpu.memory_space<hbm>>
      tpu.enqueue_dma source(%arg15 : memref<128x128xf32, #tpu.memory_space<vmem>>) target(%dma_start3A_76 : memref<128x128xf32, #tpu.memory_space<hbm>>) target_semaphore(%run_scoped3A_71 : memref<!tpu.dma_semaphore, #tpu.memory_space<semaphore_mem>>)
      %dma_wait3A = arith.constant 0 : i32
      %dma_wait3A_77 = tpu.memref_slice %arg7[%arg0, %multiple_of3A_50, %dma_wait3A] : memref<2x10240x128xf32, #tpu.memory_space<hbm>> -> memref<1x128x128xf32, #tpu.memory_space<hbm>>
      %dma_wait3A_78 = tpu.memref_squeeze %dma_wait3A_77 : memref<1x128x128xf32, #tpu.memory_space<hbm>> -> memref<128x128xf32, #tpu.memory_space<hbm>>
      %dma_wait3A_79 = arith.constant 0 : i32
      %dma_wait3A_80 = tpu.memref_slice %arg7[%arg0, %multiple_of3A_50, %dma_wait3A_79] : memref<2x10240x128xf32, #tpu.memory_space<hbm>> -> memref<1x128x128xf32, #tpu.memory_space<hbm>>
      %dma_wait3A_81 = tpu.memref_squeeze %dma_wait3A_80 : memref<1x128x128xf32, #tpu.memory_space<hbm>> -> memref<128x128xf32, #tpu.memory_space<hbm>>
      tpu.wait_dma2 semaphore(%run_scoped3A_71 : memref<!tpu.dma_semaphore, #tpu.memory_space<semaphore_mem>>) src(%arg15 : memref<128x128xf32, #tpu.memory_space<vmem>>) dst(%dma_wait3A_81 : memref<128x128xf32, #tpu.memory_space<hbm>>)
      tpu.yield
    }) : () -> ()
    %mul3A_51 = arith.constant 640 : i32
    %mul3A_52 = arith.muli %arg1, %mul3A_51 : i32
    %add3A_53 = arith.constant 128 : i32
    %add3A_54 = arith.addi %mul3A_52, %add3A_53 : i32
    %multiple_of3A_55 = tpu.assume_multiple %add3A_54, 8 : i32
    "tpu.region"() ({
      %run_scoped3A_71 = tpu.sem_alloc : memref<!tpu.dma_semaphore, #tpu.memory_space<semaphore_mem>>
      %dma_start3A = arith.constant 0 : i32
      %dma_start3A_72 = tpu.memref_slice %arg16[%multiple_of3A_55, %dma_start3A] : memref<10240x128xf32, #tpu.memory_space<vmem_shared>> -> memref<128x128xf32, #tpu.memory_space<vmem_shared>>
      %dma_start3A_73 = arith.constant 0 : i32
      %dma_start3A_74 = tpu.memref_slice %arg16[%multiple_of3A_55, %dma_start3A_73] : memref<10240x128xf32, #tpu.memory_space<vmem_shared>> -> memref<128x128xf32, #tpu.memory_space<vmem_shared>>
      tpu.enqueue_dma source(%dma_start3A_74 : memref<128x128xf32, #tpu.memory_space<vmem_shared>>) target(%arg15 : memref<128x128xf32, #tpu.memory_space<vmem>>) target_semaphore(%run_scoped3A_71 : memref<!tpu.dma_semaphore, #tpu.memory_space<semaphore_mem>>)
      %dma_wait3A = arith.constant 0 : i32
      %dma_wait3A_75 = tpu.memref_slice %arg16[%multiple_of3A_55, %dma_wait3A] : memref<10240x128xf32, #tpu.memory_space<vmem_shared>> -> memref<128x128xf32, #tpu.memory_space<vmem_shared>>
      %dma_wait3A_76 = arith.constant 0 : i32
      %dma_wait3A_77 = tpu.memref_slice %arg16[%multiple_of3A_55, %dma_wait3A_76] : memref<10240x128xf32, #tpu.memory_space<vmem_shared>> -> memref<128x128xf32, #tpu.memory_space<vmem_shared>>
      tpu.wait_dma2 semaphore(%run_scoped3A_71 : memref<!tpu.dma_semaphore, #tpu.memory_space<semaphore_mem>>) src(%dma_wait3A_77 : memref<128x128xf32, #tpu.memory_space<vmem_shared>>) dst(%arg15 : memref<128x128xf32, #tpu.memory_space<vmem>>)
      tpu.yield
    }) : () -> ()
    "tpu.region"() ({
      %run_scoped3A_71 = tpu.sem_alloc : memref<!tpu.dma_semaphore, #tpu.memory_space<semaphore_mem>>
      %dma_start3A = arith.constant 0 : i32
      %dma_start3A_72 = tpu.memref_slice %arg7[%arg0, %multiple_of3A_55, %dma_start3A] : memref<2x10240x128xf32, #tpu.memory_space<hbm>> -> memref<1x128x128xf32, #tpu.memory_space<hbm>>
      %dma_start3A_73 = tpu.memref_squeeze %dma_start3A_72 : memref<1x128x128xf32, #tpu.memory_space<hbm>> -> memref<128x128xf32, #tpu.memory_space<hbm>>
      %dma_start3A_74 = arith.constant 0 : i32
      %dma_start3A_75 = tpu.memref_slice %arg7[%arg0, %multiple_of3A_55, %dma_start3A_74] : memref<2x10240x128xf32, #tpu.memory_space<hbm>> -> memref<1x128x128xf32, #tpu.memory_space<hbm>>
      %dma_start3A_76 = tpu.memref_squeeze %dma_start3A_75 : memref<1x128x128xf32, #tpu.memory_space<hbm>> -> memref<128x128xf32, #tpu.memory_space<hbm>>
      tpu.enqueue_dma source(%arg15 : memref<128x128xf32, #tpu.memory_space<vmem>>) target(%dma_start3A_76 : memref<128x128xf32, #tpu.memory_space<hbm>>) target_semaphore(%run_scoped3A_71 : memref<!tpu.dma_semaphore, #tpu.memory_space<semaphore_mem>>)
      %dma_wait3A = arith.constant 0 : i32
      %dma_wait3A_77 = tpu.memref_slice %arg7[%arg0, %multiple_of3A_55, %dma_wait3A] : memref<2x10240x128xf32, #tpu.memory_space<hbm>> -> memref<1x128x128xf32, #tpu.memory_space<hbm>>
      %dma_wait3A_78 = tpu.memref_squeeze %dma_wait3A_77 : memref<1x128x128xf32, #tpu.memory_space<hbm>> -> memref<128x128xf32, #tpu.memory_space<hbm>>
      %dma_wait3A_79 = arith.constant 0 : i32
      %dma_wait3A_80 = tpu.memref_slice %arg7[%arg0, %multiple_of3A_55, %dma_wait3A_79] : memref<2x10240x128xf32, #tpu.memory_space<hbm>> -> memref<1x128x128xf32, #tpu.memory_space<hbm>>
      %dma_wait3A_81 = tpu.memref_squeeze %dma_wait3A_80 : memref<1x128x128xf32, #tpu.memory_space<hbm>> -> memref<128x128xf32, #tpu.memory_space<hbm>>
      tpu.wait_dma2 semaphore(%run_scoped3A_71 : memref<!tpu.dma_semaphore, #tpu.memory_space<semaphore_mem>>) src(%arg15 : memref<128x128xf32, #tpu.memory_space<vmem>>) dst(%dma_wait3A_81 : memref<128x128xf32, #tpu.memory_space<hbm>>)
      tpu.yield
    }) : () -> ()
    %mul3A_56 = arith.constant 640 : i32
    %mul3A_57 = arith.muli %arg1, %mul3A_56 : i32
    %add3A_58 = arith.constant 256 : i32
    %add3A_59 = arith.addi %mul3A_57, %add3A_58 : i32
    %multiple_of3A_60 = tpu.assume_multiple %add3A_59, 8 : i32
    "tpu.region"() ({
      %run_scoped3A_71 = tpu.sem_alloc : memref<!tpu.dma_semaphore, #tpu.memory_space<semaphore_mem>>
      %dma_start3A = arith.constant 0 : i32
      %dma_start3A_72 = tpu.memref_slice %arg16[%multiple_of3A_60, %dma_start3A] : memref<10240x128xf32, #tpu.memory_space<vmem_shared>> -> memref<128x128xf32, #tpu.memory_space<vmem_shared>>
      %dma_start3A_73 = arith.constant 0 : i32
      %dma_start3A_74 = tpu.memref_slice %arg16[%multiple_of3A_60, %dma_start3A_73] : memref<10240x128xf32, #tpu.memory_space<vmem_shared>> -> memref<128x128xf32, #tpu.memory_space<vmem_shared>>
      tpu.enqueue_dma source(%dma_start3A_74 : memref<128x128xf32, #tpu.memory_space<vmem_shared>>) target(%arg15 : memref<128x128xf32, #tpu.memory_space<vmem>>) target_semaphore(%run_scoped3A_71 : memref<!tpu.dma_semaphore, #tpu.memory_space<semaphore_mem>>)
      %dma_wait3A = arith.constant 0 : i32
      %dma_wait3A_75 = tpu.memref_slice %arg16[%multiple_of3A_60, %dma_wait3A] : memref<10240x128xf32, #tpu.memory_space<vmem_shared>> -> memref<128x128xf32, #tpu.memory_space<vmem_shared>>
      %dma_wait3A_76 = arith.constant 0 : i32
      %dma_wait3A_77 = tpu.memref_slice %arg16[%multiple_of3A_60, %dma_wait3A_76] : memref<10240x128xf32, #tpu.memory_space<vmem_shared>> -> memref<128x128xf32, #tpu.memory_space<vmem_shared>>
      tpu.wait_dma2 semaphore(%run_scoped3A_71 : memref<!tpu.dma_semaphore, #tpu.memory_space<semaphore_mem>>) src(%dma_wait3A_77 : memref<128x128xf32, #tpu.memory_space<vmem_shared>>) dst(%arg15 : memref<128x128xf32, #tpu.memory_space<vmem>>)
      tpu.yield
    }) : () -> ()
    "tpu.region"() ({
      %run_scoped3A_71 = tpu.sem_alloc : memref<!tpu.dma_semaphore, #tpu.memory_space<semaphore_mem>>
      %dma_start3A = arith.constant 0 : i32
      %dma_start3A_72 = tpu.memref_slice %arg7[%arg0, %multiple_of3A_60, %dma_start3A] : memref<2x10240x128xf32, #tpu.memory_space<hbm>> -> memref<1x128x128xf32, #tpu.memory_space<hbm>>
      %dma_start3A_73 = tpu.memref_squeeze %dma_start3A_72 : memref<1x128x128xf32, #tpu.memory_space<hbm>> -> memref<128x128xf32, #tpu.memory_space<hbm>>
      %dma_start3A_74 = arith.constant 0 : i32
      %dma_start3A_75 = tpu.memref_slice %arg7[%arg0, %multiple_of3A_60, %dma_start3A_74] : memref<2x10240x128xf32, #tpu.memory_space<hbm>> -> memref<1x128x128xf32, #tpu.memory_space<hbm>>
      %dma_start3A_76 = tpu.memref_squeeze %dma_start3A_75 : memref<1x128x128xf32, #tpu.memory_space<hbm>> -> memref<128x128xf32, #tpu.memory_space<hbm>>
      tpu.enqueue_dma source(%arg15 : memref<128x128xf32, #tpu.memory_space<vmem>>) target(%dma_start3A_76 : memref<128x128xf32, #tpu.memory_space<hbm>>) target_semaphore(%run_scoped3A_71 : memref<!tpu.dma_semaphore, #tpu.memory_space<semaphore_mem>>)
      %dma_wait3A = arith.constant 0 : i32
      %dma_wait3A_77 = tpu.memref_slice %arg7[%arg0, %multiple_of3A_60, %dma_wait3A] : memref<2x10240x128xf32, #tpu.memory_space<hbm>> -> memref<1x128x128xf32, #tpu.memory_space<hbm>>
      %dma_wait3A_78 = tpu.memref_squeeze %dma_wait3A_77 : memref<1x128x128xf32, #tpu.memory_space<hbm>> -> memref<128x128xf32, #tpu.memory_space<hbm>>
      %dma_wait3A_79 = arith.constant 0 : i32
      %dma_wait3A_80 = tpu.memref_slice %arg7[%arg0, %multiple_of3A_60, %dma_wait3A_79] : memref<2x10240x128xf32, #tpu.memory_space<hbm>> -> memref<1x128x128xf32, #tpu.memory_space<hbm>>
      %dma_wait3A_81 = tpu.memref_squeeze %dma_wait3A_80 : memref<1x128x128xf32, #tpu.memory_space<hbm>> -> memref<128x128xf32, #tpu.memory_space<hbm>>
      tpu.wait_dma2 semaphore(%run_scoped3A_71 : memref<!tpu.dma_semaphore, #tpu.memory_space<semaphore_mem>>) src(%arg15 : memref<128x128xf32, #tpu.memory_space<vmem>>) dst(%dma_wait3A_81 : memref<128x128xf32, #tpu.memory_space<hbm>>)
      tpu.yield
    }) : () -> ()
    %mul3A_61 = arith.constant 640 : i32
    %mul3A_62 = arith.muli %arg1, %mul3A_61 : i32
    %add3A_63 = arith.constant 384 : i32
    %add3A_64 = arith.addi %mul3A_62, %add3A_63 : i32
    %multiple_of3A_65 = tpu.assume_multiple %add3A_64, 8 : i32
    "tpu.region"() ({
      %run_scoped3A_71 = tpu.sem_alloc : memref<!tpu.dma_semaphore, #tpu.memory_space<semaphore_mem>>
      %dma_start3A = arith.constant 0 : i32
      %dma_start3A_72 = tpu.memref_slice %arg16[%multiple_of3A_65, %dma_start3A] : memref<10240x128xf32, #tpu.memory_space<vmem_shared>> -> memref<128x128xf32, #tpu.memory_space<vmem_shared>>
      %dma_start3A_73 = arith.constant 0 : i32
      %dma_start3A_74 = tpu.memref_slice %arg16[%multiple_of3A_65, %dma_start3A_73] : memref<10240x128xf32, #tpu.memory_space<vmem_shared>> -> memref<128x128xf32, #tpu.memory_space<vmem_shared>>
      tpu.enqueue_dma source(%dma_start3A_74 : memref<128x128xf32, #tpu.memory_space<vmem_shared>>) target(%arg15 : memref<128x128xf32, #tpu.memory_space<vmem>>) target_semaphore(%run_scoped3A_71 : memref<!tpu.dma_semaphore, #tpu.memory_space<semaphore_mem>>)
      %dma_wait3A = arith.constant 0 : i32
      %dma_wait3A_75 = tpu.memref_slice %arg16[%multiple_of3A_65, %dma_wait3A] : memref<10240x128xf32, #tpu.memory_space<vmem_shared>> -> memref<128x128xf32, #tpu.memory_space<vmem_shared>>
      %dma_wait3A_76 = arith.constant 0 : i32
      %dma_wait3A_77 = tpu.memref_slice %arg16[%multiple_of3A_65, %dma_wait3A_76] : memref<10240x128xf32, #tpu.memory_space<vmem_shared>> -> memref<128x128xf32, #tpu.memory_space<vmem_shared>>
      tpu.wait_dma2 semaphore(%run_scoped3A_71 : memref<!tpu.dma_semaphore, #tpu.memory_space<semaphore_mem>>) src(%dma_wait3A_77 : memref<128x128xf32, #tpu.memory_space<vmem_shared>>) dst(%arg15 : memref<128x128xf32, #tpu.memory_space<vmem>>)
      tpu.yield
    }) : () -> ()
    "tpu.region"() ({
      %run_scoped3A_71 = tpu.sem_alloc : memref<!tpu.dma_semaphore, #tpu.memory_space<semaphore_mem>>
      %dma_start3A = arith.constant 0 : i32
      %dma_start3A_72 = tpu.memref_slice %arg7[%arg0, %multiple_of3A_65, %dma_start3A] : memref<2x10240x128xf32, #tpu.memory_space<hbm>> -> memref<1x128x128xf32, #tpu.memory_space<hbm>>
      %dma_start3A_73 = tpu.memref_squeeze %dma_start3A_72 : memref<1x128x128xf32, #tpu.memory_space<hbm>> -> memref<128x128xf32, #tpu.memory_space<hbm>>
      %dma_start3A_74 = arith.constant 0 : i32
      %dma_start3A_75 = tpu.memref_slice %arg7[%arg0, %multiple_of3A_65, %dma_start3A_74] : memref<2x10240x128xf32, #tpu.memory_space<hbm>> -> memref<1x128x128xf32, #tpu.memory_space<hbm>>
      %dma_start3A_76 = tpu.memref_squeeze %dma_start3A_75 : memref<1x128x128xf32, #tpu.memory_space<hbm>> -> memref<128x128xf32, #tpu.memory_space<hbm>>
      tpu.enqueue_dma source(%arg15 : memref<128x128xf32, #tpu.memory_space<vmem>>) target(%dma_start3A_76 : memref<128x128xf32, #tpu.memory_space<hbm>>) target_semaphore(%run_scoped3A_71 : memref<!tpu.dma_semaphore, #tpu.memory_space<semaphore_mem>>)
      %dma_wait3A = arith.constant 0 : i32
      %dma_wait3A_77 = tpu.memref_slice %arg7[%arg0, %multiple_of3A_65, %dma_wait3A] : memref<2x10240x128xf32, #tpu.memory_space<hbm>> -> memref<1x128x128xf32, #tpu.memory_space<hbm>>
      %dma_wait3A_78 = tpu.memref_squeeze %dma_wait3A_77 : memref<1x128x128xf32, #tpu.memory_space<hbm>> -> memref<128x128xf32, #tpu.memory_space<hbm>>
      %dma_wait3A_79 = arith.constant 0 : i32
      %dma_wait3A_80 = tpu.memref_slice %arg7[%arg0, %multiple_of3A_65, %dma_wait3A_79] : memref<2x10240x128xf32, #tpu.memory_space<hbm>> -> memref<1x128x128xf32, #tpu.memory_space<hbm>>
      %dma_wait3A_81 = tpu.memref_squeeze %dma_wait3A_80 : memref<1x128x128xf32, #tpu.memory_space<hbm>> -> memref<128x128xf32, #tpu.memory_space<hbm>>
      tpu.wait_dma2 semaphore(%run_scoped3A_71 : memref<!tpu.dma_semaphore, #tpu.memory_space<semaphore_mem>>) src(%arg15 : memref<128x128xf32, #tpu.memory_space<vmem>>) dst(%dma_wait3A_81 : memref<128x128xf32, #tpu.memory_space<hbm>>)
      tpu.yield
    }) : () -> ()
    %mul3A_66 = arith.constant 640 : i32
    %mul3A_67 = arith.muli %arg1, %mul3A_66 : i32
    %add3A_68 = arith.constant 512 : i32
    %add3A_69 = arith.addi %mul3A_67, %add3A_68 : i32
    %multiple_of3A_70 = tpu.assume_multiple %add3A_69, 8 : i32
    "tpu.region"() ({
      %run_scoped3A_71 = tpu.sem_alloc : memref<!tpu.dma_semaphore, #tpu.memory_space<semaphore_mem>>
      %dma_start3A = arith.constant 0 : i32
      %dma_start3A_72 = tpu.memref_slice %arg16[%multiple_of3A_70, %dma_start3A] : memref<10240x128xf32, #tpu.memory_space<vmem_shared>> -> memref<128x128xf32, #tpu.memory_space<vmem_shared>>
      %dma_start3A_73 = arith.constant 0 : i32
      %dma_start3A_74 = tpu.memref_slice %arg16[%multiple_of3A_70, %dma_start3A_73] : memref<10240x128xf32, #tpu.memory_space<vmem_shared>> -> memref<128x128xf32, #tpu.memory_space<vmem_shared>>
      tpu.enqueue_dma source(%dma_start3A_74 : memref<128x128xf32, #tpu.memory_space<vmem_shared>>) target(%arg15 : memref<128x128xf32, #tpu.memory_space<vmem>>) target_semaphore(%run_scoped3A_71 : memref<!tpu.dma_semaphore, #tpu.memory_space<semaphore_mem>>)
      %dma_wait3A = arith.constant 0 : i32
      %dma_wait3A_75 = tpu.memref_slice %arg16[%multiple_of3A_70, %dma_wait3A] : memref<10240x128xf32, #tpu.memory_space<vmem_shared>> -> memref<128x128xf32, #tpu.memory_space<vmem_shared>>
      %dma_wait3A_76 = arith.constant 0 : i32
      %dma_wait3A_77 = tpu.memref_slice %arg16[%multiple_of3A_70, %dma_wait3A_76] : memref<10240x128xf32, #tpu.memory_space<vmem_shared>> -> memref<128x128xf32, #tpu.memory_space<vmem_shared>>
      tpu.wait_dma2 semaphore(%run_scoped3A_71 : memref<!tpu.dma_semaphore, #tpu.memory_space<semaphore_mem>>) src(%dma_wait3A_77 : memref<128x128xf32, #tpu.memory_space<vmem_shared>>) dst(%arg15 : memref<128x128xf32, #tpu.memory_space<vmem>>)
      tpu.yield
    }) : () -> ()
    "tpu.region"() ({
      %run_scoped3A_71 = tpu.sem_alloc : memref<!tpu.dma_semaphore, #tpu.memory_space<semaphore_mem>>
      %dma_start3A = arith.constant 0 : i32
      %dma_start3A_72 = tpu.memref_slice %arg7[%arg0, %multiple_of3A_70, %dma_start3A] : memref<2x10240x128xf32, #tpu.memory_space<hbm>> -> memref<1x128x128xf32, #tpu.memory_space<hbm>>
      %dma_start3A_73 = tpu.memref_squeeze %dma_start3A_72 : memref<1x128x128xf32, #tpu.memory_space<hbm>> -> memref<128x128xf32, #tpu.memory_space<hbm>>
      %dma_start3A_74 = arith.constant 0 : i32
      %dma_start3A_75 = tpu.memref_slice %arg7[%arg0, %multiple_of3A_70, %dma_start3A_74] : memref<2x10240x128xf32, #tpu.memory_space<hbm>> -> memref<1x128x128xf32, #tpu.memory_space<hbm>>
      %dma_start3A_76 = tpu.memref_squeeze %dma_start3A_75 : memref<1x128x128xf32, #tpu.memory_space<hbm>> -> memref<128x128xf32, #tpu.memory_space<hbm>>
      tpu.enqueue_dma source(%arg15 : memref<128x128xf32, #tpu.memory_space<vmem>>) target(%dma_start3A_76 : memref<128x128xf32, #tpu.memory_space<hbm>>) target_semaphore(%run_scoped3A_71 : memref<!tpu.dma_semaphore, #tpu.memory_space<semaphore_mem>>)
      %dma_wait3A = arith.constant 0 : i32
      %dma_wait3A_77 = tpu.memref_slice %arg7[%arg0, %multiple_of3A_70, %dma_wait3A] : memref<2x10240x128xf32, #tpu.memory_space<hbm>> -> memref<1x128x128xf32, #tpu.memory_space<hbm>>
      %dma_wait3A_78 = tpu.memref_squeeze %dma_wait3A_77 : memref<1x128x128xf32, #tpu.memory_space<hbm>> -> memref<128x128xf32, #tpu.memory_space<hbm>>
      %dma_wait3A_79 = arith.constant 0 : i32
      %dma_wait3A_80 = tpu.memref_slice %arg7[%arg0, %multiple_of3A_70, %dma_wait3A_79] : memref<2x10240x128xf32, #tpu.memory_space<hbm>> -> memref<1x128x128xf32, #tpu.memory_space<hbm>>
      %dma_wait3A_81 = tpu.memref_squeeze %dma_wait3A_80 : memref<1x128x128xf32, #tpu.memory_space<hbm>> -> memref<128x128xf32, #tpu.memory_space<hbm>>
      tpu.wait_dma2 semaphore(%run_scoped3A_71 : memref<!tpu.dma_semaphore, #tpu.memory_space<semaphore_mem>>) src(%arg15 : memref<128x128xf32, #tpu.memory_space<vmem>>) dst(%dma_wait3A_81 : memref<128x128xf32, #tpu.memory_space<hbm>>)
      tpu.yield
    }) : () -> ()
    return
  }
}

module attributes {stable_mosaic.version = 14 : i64} {
  func.func @_tc2_body(%arg0: i32, %arg1: memref<2x1000x128xf32, #tpu.memory_space<vmem>>, %arg2: memref<128x128xf32, #tpu.memory_space<vmem>>, %arg3: memref<1x1xf32, #tpu.memory_space<vmem>>, %arg4: memref<1000x128xf32, #tpu.memory_space<vmem>>) attributes {dimension_semantics = [#tpu.dimension_semantics<arbitrary>], iteration_bounds = array<i64: 10>, scalar_prefetch = 0 : i64, scratch_operands = 0 : i64, tpu.core_type = #tpu.core_type<tc>, window_params = [{transform_indices = @transform_0, window_bounds = array<i64: 2, 1000, 128>}, {pipeline_mode = #tpu.pipeline_mode<synchronous>, transform_indices = @transform_1, window_bounds = array<i64: 128, 128>}, {pipeline_mode = #tpu.pipeline_mode<synchronous>, transform_indices = @transform_2, window_bounds = array<i64: 1, 1>}, {transform_indices = @transform_3, window_bounds = array<i64: 1000, 128>}]} {
    %get3A = arith.constant 0 : index
    %get3A_0 = arith.constant 0 : index
    %get3A_1 = arith.constant 0 : index
    %get3A_2 = vector.load %arg1[%get3A, %get3A_0, %get3A_1] : memref<2x1000x128xf32, #tpu.memory_space<vmem>>, vector<1x1000x128xf32>
    %get3A_3 = vector.shape_cast %get3A_2 : vector<1x1000x128xf32> to vector<1000x128xf32>
    %get3A_4 = arith.constant 1 : index
    %get3A_5 = arith.constant 0 : index
    %get3A_6 = arith.constant 0 : index
    %get3A_7 = vector.load %arg1[%get3A_4, %get3A_5, %get3A_6] : memref<2x1000x128xf32, #tpu.memory_space<vmem>>, vector<1x1000x128xf32>
    %get3A_8 = vector.shape_cast %get3A_7 : vector<1x1000x128xf32> to vector<1000x128xf32>
    %add3A = arith.addf %get3A_3, %get3A_8 : vector<1000x128xf32>
    %slice3A = vector.extract_strided_slice %add3A {offsets = [0, 0], sizes = [1000, 1], strides = [1, 1]} : vector<1000x128xf32> to vector<1000x1xf32>
    %mul3A = arith.mulf %add3A, %add3A : vector<1000x128xf32>
    %reduce_sum3A = arith.constant dense<0.000000e+00> : vector<1000xf32>
    %reduce_sum3A_9 = vector.multi_reduction <add>, %mul3A, %reduce_sum3A [1] : vector<1000x128xf32> to vector<1000xf32>
    %broadcast_in_dim3A = vector.shape_cast %reduce_sum3A_9 : vector<1000xf32> to vector<1000x1xf32>
    %mul3A_10 = arith.constant 2.000000e+00 : f32
    %mul3A_11 = vector.broadcast %mul3A_10 : f32 to vector<1000x1xf32>
    %mul3A_12 = arith.mulf %mul3A_11, %slice3A : vector<1000x1xf32>
    %mul3A_13 = arith.mulf %mul3A_12, %slice3A : vector<1000x1xf32>
    %sub3A = arith.subf %broadcast_in_dim3A, %mul3A_13 : vector<1000x1xf32>
    %abs3A = math.absf %sub3A : vector<1000x1xf32>
    %jit3A = arith.constant 9.99999993E-9 : f32
    %max3A = vector.broadcast %jit3A : f32 to vector<1000x1xf32>
    %max3A_14 = arith.maximumf %max3A, %abs3A : vector<1000x1xf32>
    %sqrt3A = math.sqrt %max3A_14 : vector<1000x1xf32>
    %div3A = vector.broadcast %sqrt3A : vector<1000x1xf32> to vector<1000x128xf32>
    %div3A_15 = arith.divf %add3A, %div3A : vector<1000x128xf32>
    %get3A_16 = arith.constant 0 : index
    %get3A_17 = arith.constant 0 : index
    %get3A_18 = vector.load %arg2[%get3A_16, %get3A_17] : memref<128x128xf32, #tpu.memory_space<vmem>>, vector<128x128xf32>
    %get3A_19 = arith.constant 0 : index
    %get3A_20 = arith.constant 0 : index
    %get3A_21 = vector.load %arg3[%get3A_19, %get3A_20] : memref<1x1xf32, #tpu.memory_space<vmem>>, vector<1x1xf32>
    %get3A_22 = vector.extract %get3A_21[0, 0] : f32 from vector<1x1xf32>
    %dot_general3A = arith.constant dense<0.000000e+00> : vector<1000x128xf32>
    %dot_general3A_23 = tpu.matmul %div3A_15, %get3A_18, %dot_general3A {dimension_numbers = #tpu.dot_dimension_numbers<[1], [1], [0], [0], [0, 0, 1, 0], [], []>, transpose_lhs_hint = false} : vector<1000x128xf32>, vector<128x128xf32>, vector<1000x128xf32> -> vector<1000x128xf32>
    %slice3A_24 = vector.extract_strided_slice %dot_general3A_23 {offsets = [0, 0], sizes = [1000, 1], strides = [1, 1]} : vector<1000x128xf32> to vector<1000x1xf32>
    %logistic3A = arith.negf %slice3A_24 : vector<1000x1xf32>
    %logistic3A_25 = math.exp %logistic3A : vector<1000x1xf32>
    %logistic3A_26 = arith.constant 1.000000e+00 : f32
    %logistic3A_27 = vector.broadcast %logistic3A_26 : f32 to vector<1000x1xf32>
    %logistic3A_28 = arith.addf %logistic3A_27, %logistic3A_25 : vector<1000x1xf32>
    %logistic3A_29 = arith.divf %logistic3A_27, %logistic3A_28 : vector<1000x1xf32>
    %exp3A = math.exp %get3A_22 : f32
    %mul3A_30 = vector.broadcast %exp3A : f32 to vector<1000x1xf32>
    %mul3A_31 = arith.mulf %logistic3A_29, %mul3A_30 : vector<1000x1xf32>
    %add3A_32 = arith.constant 1.100000e+00 : f32
    %add3A_33 = vector.broadcast %add3A_32 : f32 to vector<1000x1xf32>
    %add3A_34 = arith.addf %mul3A_31, %add3A_33 : vector<1000x1xf32>
    %mul3A_35 = arith.mulf %dot_general3A_23, %dot_general3A_23 : vector<1000x128xf32>
    %reduce_sum3A_36 = arith.constant dense<0.000000e+00> : vector<1000xf32>
    %reduce_sum3A_37 = vector.multi_reduction <add>, %mul3A_35, %reduce_sum3A_36 [1] : vector<1000x128xf32> to vector<1000xf32>
    %broadcast_in_dim3A_38 = vector.shape_cast %reduce_sum3A_37 : vector<1000xf32> to vector<1000x1xf32>
    %mul3A_39 = arith.mulf %slice3A_24, %slice3A_24 : vector<1000x1xf32>
    %sub3A_40 = arith.subf %broadcast_in_dim3A_38, %mul3A_39 : vector<1000x1xf32>
    %jit3A_41 = arith.constant 9.99999993E-9 : f32
    %max3A_42 = vector.broadcast %jit3A_41 : f32 to vector<1000x1xf32>
    %max3A_43 = arith.maximumf %max3A_42, %sub3A_40 : vector<1000x1xf32>
    %mul3A_44 = arith.mulf %add3A_34, %add3A_34 : vector<1000x1xf32>
    %sub3A_45 = arith.constant 1.000000e+00 : f32
    %sub3A_46 = vector.broadcast %sub3A_45 : f32 to vector<1000x1xf32>
    %sub3A_47 = arith.subf %mul3A_44, %sub3A_46 : vector<1000x1xf32>
    %div3A_48 = arith.divf %sub3A_47, %max3A_43 : vector<1000x1xf32>
    %sqrt3A_49 = math.sqrt %div3A_48 : vector<1000x1xf32>
    %iota3A = tpu.iota {dimensions = array<i32: 1>} : vector<1000x128xi32>
    %eq3A = arith.constant 0 : i32
    %eq3A_50 = vector.broadcast %eq3A : i32 to vector<1000x128xi32>
    %eq3A_51 = arith.cmpi eq, %iota3A, %eq3A_50 : vector<1000x128xi32>
    %mul3A_52 = vector.broadcast %sqrt3A_49 : vector<1000x1xf32> to vector<1000x128xf32>
    %mul3A_53 = arith.mulf %dot_general3A_23, %mul3A_52 : vector<1000x128xf32>
    %broadcast_in_dim3A_54 = vector.shape_cast %add3A_34 : vector<1000x1xf32> to vector<1000x1xf32>
    %broadcast_in_dim3A_55 = vector.broadcast %broadcast_in_dim3A_54 : vector<1000x1xf32> to vector<1000x128xf32>
    %select_n3A = arith.select %eq3A_51, %broadcast_in_dim3A_55, %mul3A_53 : vector<1000x128xi1>, vector<1000x128xf32>
    %swap3A = arith.constant 0 : index
    %swap3A_56 = arith.constant 0 : index
    %swap3A_57 = vector.load %arg4[%swap3A, %swap3A_56] : memref<1000x128xf32, #tpu.memory_space<vmem>>, vector<1000x128xf32>
    tpu.vector_store %arg4[%swap3A, %swap3A_56], %select_n3A {strides = array<i32>} : memref<1000x128xf32, #tpu.memory_space<vmem>>, vector<1000x128xf32>,
    return
  }
  func.func @transform_0(%arg0: i32) -> (i32, i32, i32) {
    %c0_i32 = arith.constant 0 : i32
    %c0_i32_0 = arith.constant 0 : i32
    %c0_i32_1 = arith.constant 0 : i32
    return %c0_i32, %arg0, %c0_i32_0 : i32, i32, i32
  }
  func.func @transform_1(%arg0: i32) -> (i32, i32) {
    %c0_i32 = arith.constant 0 : i32
    %c0_i32_0 = arith.constant 0 : i32
    %c0_i32_1 = arith.constant 0 : i32
    return %c0_i32, %c0_i32_0 : i32, i32
  }
  func.func @transform_2(%arg0: i32) -> (i32, i32) {
    %c0_i32 = arith.constant 0 : i32
    %c0_i32_0 = arith.constant 0 : i32
    %c0_i32_1 = arith.constant 0 : i32
    return %c0_i32, %c0_i32_0 : i32, i32
  }
  func.func @transform_3(%arg0: i32) -> (i32, i32) {
    %c0_i32 = arith.constant 0 : i32
    %c0_i32_0 = arith.constant 0 : i32
    return %arg0, %c0_i32 : i32, i32
  }
}

module attributes {stable_mosaic.version = 14 : i64} {
  func.func @_tc1_body(%arg0: i32, %arg1: memref<1000x128xf32, #tpu.memory_space<vmem>>, %arg2: memref<128x128xf32, #tpu.memory_space<vmem>>, %arg3: memref<128x128xf32, #tpu.memory_space<vmem>>, %arg4: memref<128x128xf32, #tpu.memory_space<vmem>>, %arg5: memref<1x256xf32, #tpu.memory_space<vmem>>, %arg6: memref<1x1xf32, #tpu.memory_space<vmem>>, %arg7: memref<1x1xf32, #tpu.memory_space<vmem>>, %arg8: memref<1x1xf32, #tpu.memory_space<vmem>>, %arg9: memref<1000x128xf32, #tpu.memory_space<vmem>>, %arg10: memref<1000x1xf32, #tpu.memory_space<vmem>>, %arg11: memref<1000x1xf32, #tpu.memory_space<vmem>>) attributes {dimension_semantics = [#tpu.dimension_semantics<arbitrary>], iteration_bounds = array<i64: 10>, scalar_prefetch = 0 : i64, scratch_operands = 0 : i64, tpu.core_type = #tpu.core_type<tc>, window_params = [{transform_indices = @transform_0, window_bounds = array<i64: 1000, 128>}, {pipeline_mode = #tpu.pipeline_mode<synchronous>, transform_indices = @transform_1, window_bounds = array<i64: 128, 128>}, {pipeline_mode = #tpu.pipeline_mode<synchronous>, transform_indices = @transform_2, window_bounds = array<i64: 128, 128>}, {pipeline_mode = #tpu.pipeline_mode<synchronous>, transform_indices = @transform_3, window_bounds = array<i64: 128, 128>}, {pipeline_mode = #tpu.pipeline_mode<synchronous>, transform_indices = @transform_4, window_bounds = array<i64: 1, 256>}, {pipeline_mode = #tpu.pipeline_mode<synchronous>, transform_indices = @transform_5, window_bounds = array<i64: 1, 1>}, {pipeline_mode = #tpu.pipeline_mode<synchronous>, transform_indices = @transform_6, window_bounds = array<i64: 1, 1>}, {pipeline_mode = #tpu.pipeline_mode<synchronous>, transform_indices = @transform_7, window_bounds = array<i64: 1, 1>}, {transform_indices = @transform_8, window_bounds = array<i64: 1000, 128>}, {transform_indices = @transform_9, window_bounds = array<i64: 1000, 1>}, {transform_indices = @transform_10, window_bounds = array<i64: 1000, 1>}]} {
    %get3A = arith.constant 0 : index
    %get3A_0 = arith.constant 0 : index
    %get3A_1 = vector.load %arg1[%get3A, %get3A_0] : memref<1000x128xf32, #tpu.memory_space<vmem>>, vector<1000x128xf32>
    %get3A_2 = arith.constant 0 : index
    %get3A_3 = arith.constant 0 : index
    %get3A_4 = vector.load %arg5[%get3A_2, %get3A_3] : memref<1x256xf32, #tpu.memory_space<vmem>>, vector<1x256xf32>
    %get3A_5 = arith.constant 0 : index
    %get3A_6 = arith.constant 0 : index
    %get3A_7 = vector.load %arg2[%get3A_5, %get3A_6] : memref<128x128xf32, #tpu.memory_space<vmem>>, vector<128x128xf32>
    %get3A_8 = arith.constant 0 : index
    %get3A_9 = arith.constant 0 : index
    %get3A_10 = vector.load %arg6[%get3A_8, %get3A_9] : memref<1x1xf32, #tpu.memory_space<vmem>>, vector<1x1xf32>
    %get3A_11 = vector.extract %get3A_10[0, 0] : f32 from vector<1x1xf32>
    %slice3A = vector.extract_strided_slice %get3A_4 {offsets = [0, 0], sizes = [1, 128], strides = [1, 1]} : vector<1x256xf32> to vector<1x128xf32>
    %dot_general3A = arith.constant dense<0.000000e+00> : vector<1000x128xf32>
    %dot_general3A_12 = tpu.matmul %get3A_1, %get3A_7, %dot_general3A {dimension_numbers = #tpu.dot_dimension_numbers<[1], [1], [0], [0], [0, 0, 1, 0], [], []>, transpose_lhs_hint = false} : vector<1000x128xf32>, vector<128x128xf32>, vector<1000x128xf32> -> vector<1000x128xf32>
    %slice3A_13 = vector.extract_strided_slice %dot_general3A_12 {offsets = [0, 0], sizes = [1000, 1], strides = [1, 1]} : vector<1000x128xf32> to vector<1000x1xf32>
    %logistic3A = arith.negf %slice3A_13 : vector<1000x1xf32>
    %logistic3A_14 = math.exp %logistic3A : vector<1000x1xf32>
    %logistic3A_15 = arith.constant 1.000000e+00 : f32
    %logistic3A_16 = vector.broadcast %logistic3A_15 : f32 to vector<1000x1xf32>
    %logistic3A_17 = arith.addf %logistic3A_16, %logistic3A_14 : vector<1000x1xf32>
    %logistic3A_18 = arith.divf %logistic3A_16, %logistic3A_17 : vector<1000x1xf32>
    %exp3A = math.exp %get3A_11 : f32
    %mul3A = vector.broadcast %exp3A : f32 to vector<1000x1xf32>
    %mul3A_19 = arith.mulf %logistic3A_18, %mul3A : vector<1000x1xf32>
    %add3A = arith.constant 1.100000e+00 : f32
    %add3A_20 = vector.broadcast %add3A : f32 to vector<1000x1xf32>
    %add3A_21 = arith.addf %mul3A_19, %add3A_20 : vector<1000x1xf32>
    %mul3A_22 = arith.mulf %dot_general3A_12, %dot_general3A_12 : vector<1000x128xf32>
    %reduce_sum3A = arith.constant dense<0.000000e+00> : vector<1000xf32>
    %reduce_sum3A_23 = vector.multi_reduction <add>, %mul3A_22, %reduce_sum3A [1] : vector<1000x128xf32> to vector<1000xf32>
    %broadcast_in_dim3A = vector.shape_cast %reduce_sum3A_23 : vector<1000xf32> to vector<1000x1xf32>
    %mul3A_24 = arith.mulf %slice3A_13, %slice3A_13 : vector<1000x1xf32>
    %sub3A = arith.subf %broadcast_in_dim3A, %mul3A_24 : vector<1000x1xf32>
    %jit3A = arith.constant 9.99999993E-9 : f32
    %max3A = vector.broadcast %jit3A : f32 to vector<1000x1xf32>
    %max3A_25 = arith.maximumf %max3A, %sub3A : vector<1000x1xf32>
    %mul3A_26 = arith.mulf %add3A_21, %add3A_21 : vector<1000x1xf32>
    %sub3A_27 = arith.constant 1.000000e+00 : f32
    %sub3A_28 = vector.broadcast %sub3A_27 : f32 to vector<1000x1xf32>
    %sub3A_29 = arith.subf %mul3A_26, %sub3A_28 : vector<1000x1xf32>
    %div3A = arith.divf %sub3A_29, %max3A_25 : vector<1000x1xf32>
    %sqrt3A = math.sqrt %div3A : vector<1000x1xf32>
    %iota3A = tpu.iota {dimensions = array<i32: 1>} : vector<1000x128xi32>
    %eq3A = arith.constant 0 : i32
    %eq3A_30 = vector.broadcast %eq3A : i32 to vector<1000x128xi32>
    %eq3A_31 = arith.cmpi eq, %iota3A, %eq3A_30 : vector<1000x128xi32>
    %mul3A_32 = vector.broadcast %sqrt3A : vector<1000x1xf32> to vector<1000x128xf32>
    %mul3A_33 = arith.mulf %dot_general3A_12, %mul3A_32 : vector<1000x128xf32>
    %broadcast_in_dim3A_34 = vector.shape_cast %add3A_21 : vector<1000x1xf32> to vector<1000x1xf32>
    %broadcast_in_dim3A_35 = vector.broadcast %broadcast_in_dim3A_34 : vector<1000x1xf32> to vector<1000x128xf32>
    %select_n3A = arith.select %eq3A_31, %broadcast_in_dim3A_35, %mul3A_33 : vector<1000x128xi1>, vector<1000x128xf32>
    %mul3A_36 = vector.broadcast %slice3A : vector<1x128xf32> to vector<1000x128xf32>
    %mul3A_37 = arith.mulf %select_n3A, %mul3A_36 : vector<1000x128xf32>
    %reduce_sum3A_38 = arith.constant dense<0.000000e+00> : vector<1000xf32>
    %reduce_sum3A_39 = vector.multi_reduction <add>, %mul3A_37, %reduce_sum3A_38 [1] : vector<1000x128xf32> to vector<1000xf32>
    %broadcast_in_dim3A_40 = vector.shape_cast %reduce_sum3A_39 : vector<1000xf32> to vector<1000x1xf32>
    %get3A_41 = arith.constant 0 : index
    %get3A_42 = arith.constant 0 : index
    %get3A_43 = vector.load %arg3[%get3A_41, %get3A_42] : memref<128x128xf32, #tpu.memory_space<vmem>>, vector<128x128xf32>
    %get3A_44 = arith.constant 0 : index
    %get3A_45 = arith.constant 0 : index
    %get3A_46 = vector.load %arg7[%get3A_44, %get3A_45] : memref<1x1xf32, #tpu.memory_space<vmem>>, vector<1x1xf32>
    %get3A_47 = vector.extract %get3A_46[0, 0] : f32 from vector<1x1xf32>
    %slice3A_48 = vector.extract_strided_slice %get3A_4 {offsets = [0, 128], sizes = [1, 128], strides = [1, 1]} : vector<1x256xf32> to vector<1x128xf32>
    %dot_general3A_49 = arith.constant dense<0.000000e+00> : vector<1000x128xf32>
    %dot_general3A_50 = tpu.matmul %get3A_1, %get3A_43, %dot_general3A_49 {dimension_numbers = #tpu.dot_dimension_numbers<[1], [1], [0], [0], [0, 0, 1, 0], [], []>, transpose_lhs_hint = false} : vector<1000x128xf32>, vector<128x128xf32>, vector<1000x128xf32> -> vector<1000x128xf32>
    %slice3A_51 = vector.extract_strided_slice %dot_general3A_50 {offsets = [0, 0], sizes = [1000, 1], strides = [1, 1]} : vector<1000x128xf32> to vector<1000x1xf32>
    %logistic3A_52 = arith.negf %slice3A_51 : vector<1000x1xf32>
    %logistic3A_53 = math.exp %logistic3A_52 : vector<1000x1xf32>
    %logistic3A_54 = arith.constant 1.000000e+00 : f32
    %logistic3A_55 = vector.broadcast %logistic3A_54 : f32 to vector<1000x1xf32>
    %logistic3A_56 = arith.addf %logistic3A_55, %logistic3A_53 : vector<1000x1xf32>
    %logistic3A_57 = arith.divf %logistic3A_55, %logistic3A_56 : vector<1000x1xf32>
    %exp3A_58 = math.exp %get3A_47 : f32
    %mul3A_59 = vector.broadcast %exp3A_58 : f32 to vector<1000x1xf32>
    %mul3A_60 = arith.mulf %logistic3A_57, %mul3A_59 : vector<1000x1xf32>
    %add3A_61 = arith.constant 1.100000e+00 : f32
    %add3A_62 = vector.broadcast %add3A_61 : f32 to vector<1000x1xf32>
    %add3A_63 = arith.addf %mul3A_60, %add3A_62 : vector<1000x1xf32>
    %mul3A_64 = arith.mulf %dot_general3A_50, %dot_general3A_50 : vector<1000x128xf32>
    %reduce_sum3A_65 = arith.constant dense<0.000000e+00> : vector<1000xf32>
    %reduce_sum3A_66 = vector.multi_reduction <add>, %mul3A_64, %reduce_sum3A_65 [1] : vector<1000x128xf32> to vector<1000xf32>
    %broadcast_in_dim3A_67 = vector.shape_cast %reduce_sum3A_66 : vector<1000xf32> to vector<1000x1xf32>
    %mul3A_68 = arith.mulf %slice3A_51, %slice3A_51 : vector<1000x1xf32>
    %sub3A_69 = arith.subf %broadcast_in_dim3A_67, %mul3A_68 : vector<1000x1xf32>
    %jit3A_70 = arith.constant 9.99999993E-9 : f32
    %max3A_71 = vector.broadcast %jit3A_70 : f32 to vector<1000x1xf32>
    %max3A_72 = arith.maximumf %max3A_71, %sub3A_69 : vector<1000x1xf32>
    %mul3A_73 = arith.mulf %add3A_63, %add3A_63 : vector<1000x1xf32>
    %sub3A_74 = arith.constant 1.000000e+00 : f32
    %sub3A_75 = vector.broadcast %sub3A_74 : f32 to vector<1000x1xf32>
    %sub3A_76 = arith.subf %mul3A_73, %sub3A_75 : vector<1000x1xf32>
    %div3A_77 = arith.divf %sub3A_76, %max3A_72 : vector<1000x1xf32>
    %sqrt3A_78 = math.sqrt %div3A_77 : vector<1000x1xf32>
    %iota3A_79 = tpu.iota {dimensions = array<i32: 1>} : vector<1000x128xi32>
    %eq3A_80 = arith.constant 0 : i32
    %eq3A_81 = vector.broadcast %eq3A_80 : i32 to vector<1000x128xi32>
    %eq3A_82 = arith.cmpi eq, %iota3A_79, %eq3A_81 : vector<1000x128xi32>
    %mul3A_83 = vector.broadcast %sqrt3A_78 : vector<1000x1xf32> to vector<1000x128xf32>
    %mul3A_84 = arith.mulf %dot_general3A_50, %mul3A_83 : vector<1000x128xf32>
    %broadcast_in_dim3A_85 = vector.shape_cast %add3A_63 : vector<1000x1xf32> to vector<1000x1xf32>
    %broadcast_in_dim3A_86 = vector.broadcast %broadcast_in_dim3A_85 : vector<1000x1xf32> to vector<1000x128xf32>
    %select_n3A_87 = arith.select %eq3A_82, %broadcast_in_dim3A_86, %mul3A_84 : vector<1000x128xi1>, vector<1000x128xf32>
    %mul3A_88 = vector.broadcast %slice3A_48 : vector<1x128xf32> to vector<1000x128xf32>
    %mul3A_89 = arith.mulf %select_n3A_87, %mul3A_88 : vector<1000x128xf32>
    %reduce_sum3A_90 = arith.constant dense<0.000000e+00> : vector<1000xf32>
    %reduce_sum3A_91 = vector.multi_reduction <add>, %mul3A_89, %reduce_sum3A_90 [1] : vector<1000x128xf32> to vector<1000xf32>
    %broadcast_in_dim3A_92 = vector.shape_cast %reduce_sum3A_91 : vector<1000xf32> to vector<1000x1xf32>
    %get3A_93 = arith.constant 0 : index
    %get3A_94 = arith.constant 0 : index
    %get3A_95 = vector.load %arg4[%get3A_93, %get3A_94] : memref<128x128xf32, #tpu.memory_space<vmem>>, vector<128x128xf32>
    %get3A_96 = arith.constant 0 : index
    %get3A_97 = arith.constant 0 : index
    %get3A_98 = vector.load %arg8[%get3A_96, %get3A_97] : memref<1x1xf32, #tpu.memory_space<vmem>>, vector<1x1xf32>
    %get3A_99 = vector.extract %get3A_98[0, 0] : f32 from vector<1x1xf32>
    %dot_general3A_100 = arith.constant dense<0.000000e+00> : vector<1000x128xf32>
    %dot_general3A_101 = tpu.matmul %get3A_1, %get3A_95, %dot_general3A_100 {dimension_numbers = #tpu.dot_dimension_numbers<[1], [1], [0], [0], [0, 0, 1, 0], [], []>, transpose_lhs_hint = false} : vector<1000x128xf32>, vector<128x128xf32>, vector<1000x128xf32> -> vector<1000x128xf32>
    %slice3A_102 = vector.extract_strided_slice %dot_general3A_101 {offsets = [0, 0], sizes = [1000, 1], strides = [1, 1]} : vector<1000x128xf32> to vector<1000x1xf32>
    %logistic3A_103 = arith.negf %slice3A_102 : vector<1000x1xf32>
    %logistic3A_104 = math.exp %logistic3A_103 : vector<1000x1xf32>
    %logistic3A_105 = arith.constant 1.000000e+00 : f32
    %logistic3A_106 = vector.broadcast %logistic3A_105 : f32 to vector<1000x1xf32>
    %logistic3A_107 = arith.addf %logistic3A_106, %logistic3A_104 : vector<1000x1xf32>
    %logistic3A_108 = arith.divf %logistic3A_106, %logistic3A_107 : vector<1000x1xf32>
    %exp3A_109 = math.exp %get3A_99 : f32
    %mul3A_110 = vector.broadcast %exp3A_109 : f32 to vector<1000x1xf32>
    %mul3A_111 = arith.mulf %logistic3A_108, %mul3A_110 : vector<1000x1xf32>
    %add3A_112 = arith.constant 1.100000e+00 : f32
    %add3A_113 = vector.broadcast %add3A_112 : f32 to vector<1000x1xf32>
    %add3A_114 = arith.addf %mul3A_111, %add3A_113 : vector<1000x1xf32>
    %mul3A_115 = arith.mulf %dot_general3A_101, %dot_general3A_101 : vector<1000x128xf32>
    %reduce_sum3A_116 = arith.constant dense<0.000000e+00> : vector<1000xf32>
    %reduce_sum3A_117 = vector.multi_reduction <add>, %mul3A_115, %reduce_sum3A_116 [1] : vector<1000x128xf32> to vector<1000xf32>
    %broadcast_in_dim3A_118 = vector.shape_cast %reduce_sum3A_117 : vector<1000xf32> to vector<1000x1xf32>
    %mul3A_119 = arith.mulf %slice3A_102, %slice3A_102 : vector<1000x1xf32>
    %sub3A_120 = arith.subf %broadcast_in_dim3A_118, %mul3A_119 : vector<1000x1xf32>
    %jit3A_121 = arith.constant 9.99999993E-9 : f32
    %max3A_122 = vector.broadcast %jit3A_121 : f32 to vector<1000x1xf32>
    %max3A_123 = arith.maximumf %max3A_122, %sub3A_120 : vector<1000x1xf32>
    %mul3A_124 = arith.mulf %add3A_114, %add3A_114 : vector<1000x1xf32>
    %sub3A_125 = arith.constant 1.000000e+00 : f32
    %sub3A_126 = vector.broadcast %sub3A_125 : f32 to vector<1000x1xf32>
    %sub3A_127 = arith.subf %mul3A_124, %sub3A_126 : vector<1000x1xf32>
    %div3A_128 = arith.divf %sub3A_127, %max3A_123 : vector<1000x1xf32>
    %sqrt3A_129 = math.sqrt %div3A_128 : vector<1000x1xf32>
    %iota3A_130 = tpu.iota {dimensions = array<i32: 1>} : vector<1000x128xi32>
    %eq3A_131 = arith.constant 0 : i32
    %eq3A_132 = vector.broadcast %eq3A_131 : i32 to vector<1000x128xi32>
    %eq3A_133 = arith.cmpi eq, %iota3A_130, %eq3A_132 : vector<1000x128xi32>
    %mul3A_134 = vector.broadcast %sqrt3A_129 : vector<1000x1xf32> to vector<1000x128xf32>
    %mul3A_135 = arith.mulf %dot_general3A_101, %mul3A_134 : vector<1000x128xf32>
    %broadcast_in_dim3A_136 = vector.shape_cast %add3A_114 : vector<1000x1xf32> to vector<1000x1xf32>
    %broadcast_in_dim3A_137 = vector.broadcast %broadcast_in_dim3A_136 : vector<1000x1xf32> to vector<1000x128xf32>
    %select_n3A_138 = arith.select %eq3A_133, %broadcast_in_dim3A_137, %mul3A_135 : vector<1000x128xi1>, vector<1000x128xf32>
    %swap3A = arith.constant 0 : index
    %swap3A_139 = arith.constant 0 : index
    %swap3A_140 = vector.load %arg9[%swap3A, %swap3A_139] : memref<1000x128xf32, #tpu.memory_space<vmem>>, vector<1000x128xf32>
    tpu.vector_store %arg9[%swap3A, %swap3A_139], %select_n3A_138 {strides = array<i32>} : memref<1000x128xf32, #tpu.memory_space<vmem>>, vector<1000x128xf32>,
    %swap3A_141 = arith.constant 0 : index
    %swap3A_142 = arith.constant 0 : index
    %swap3A_143 = vector.load %arg10[%swap3A_141, %swap3A_142] : memref<1000x1xf32, #tpu.memory_space<vmem>>, vector<1000x1xf32>
    tpu.vector_store %arg10[%swap3A_141, %swap3A_142], %broadcast_in_dim3A_40 {strides = array<i32>} : memref<1000x1xf32, #tpu.memory_space<vmem>>, vector<1000x1xf32>,
    %swap3A_144 = arith.constant 0 : index
    %swap3A_145 = arith.constant 0 : index
    %swap3A_146 = vector.load %arg11[%swap3A_144, %swap3A_145] : memref<1000x1xf32, #tpu.memory_space<vmem>>, vector<1000x1xf32>
    tpu.vector_store %arg11[%swap3A_144, %swap3A_145], %broadcast_in_dim3A_92 {strides = array<i32>} : memref<1000x1xf32, #tpu.memory_space<vmem>>, vector<1000x1xf32>,
    return
  }
  func.func @transform_0(%arg0: i32) -> (i32, i32) {
    %c0_i32 = arith.constant 0 : i32
    %c0_i32_0 = arith.constant 0 : i32
    return %arg0, %c0_i32 : i32, i32
  }
  func.func @transform_1(%arg0: i32) -> (i32, i32) {
    %c0_i32 = arith.constant 0 : i32
    %c0_i32_0 = arith.constant 0 : i32
    %c0_i32_1 = arith.constant 0 : i32
    return %c0_i32, %c0_i32_0 : i32, i32
  }
  func.func @transform_2(%arg0: i32) -> (i32, i32) {
    %c0_i32 = arith.constant 0 : i32
    %c0_i32_0 = arith.constant 0 : i32
    %c0_i32_1 = arith.constant 0 : i32
    return %c0_i32, %c0_i32_0 : i32, i32
  }
  func.func @transform_3(%arg0: i32) -> (i32, i32) {
    %c0_i32 = arith.constant 0 : i32
    %c0_i32_0 = arith.constant 0 : i32
    %c0_i32_1 = arith.constant 0 : i32
    return %c0_i32, %c0_i32_0 : i32, i32
  }
  func.func @transform_4(%arg0: i32) -> (i32, i32) {
    %c0_i32 = arith.constant 0 : i32
    %c0_i32_0 = arith.constant 0 : i32
    %c0_i32_1 = arith.constant 0 : i32
    return %c0_i32, %c0_i32_0 : i32, i32
  }
  func.func @transform_5(%arg0: i32) -> (i32, i32) {
    %c0_i32 = arith.constant 0 : i32
    %c0_i32_0 = arith.constant 0 : i32
    %c0_i32_1 = arith.constant 0 : i32
    return %c0_i32, %c0_i32_0 : i32, i32
  }
  func.func @transform_6(%arg0: i32) -> (i32, i32) {
    %c0_i32 = arith.constant 0 : i32
    %c0_i32_0 = arith.constant 0 : i32
    %c0_i32_1 = arith.constant 0 : i32
    return %c0_i32, %c0_i32_0 : i32, i32
  }
  func.func @transform_7(%arg0: i32) -> (i32, i32) {
    %c0_i32 = arith.constant 0 : i32
    %c0_i32_0 = arith.constant 0 : i32
    %c0_i32_1 = arith.constant 0 : i32
    return %c0_i32, %c0_i32_0 : i32, i32
  }
  func.func @transform_8(%arg0: i32) -> (i32, i32) {
    %c0_i32 = arith.constant 0 : i32
    %c0_i32_0 = arith.constant 0 : i32
    return %arg0, %c0_i32 : i32, i32
  }
  func.func @transform_9(%arg0: i32) -> (i32, i32) {
    %c0_i32 = arith.constant 0 : i32
    %c0_i32_0 = arith.constant 0 : i32
    return %arg0, %c0_i32 : i32, i32
  }
  func.func @transform_10(%arg0: i32) -> (i32, i32) {
    %c0_i32 = arith.constant 0 : i32
    %c0_i32_0 = arith.constant 0 : i32
    return %arg0, %c0_i32 : i32, i32
  }
}

</mosaic_0001>

<sc_bundles>
// kernel: kernel.6.cloned.1.call-start
scs
__scs_entry_jumppad:
0x0: {  	(pc) =	sbr.rel $0x88, $3  }
0x1: {  	(tag) =	ssettag $0x0;
	lr =	simm.s32 $0x1  }
0x2: {  	[smem:$0x3F96] =	sst lr;
	_ =	strace $0xD0000000  }
0x3: {  	_ = 	snop  }
0x4: {  	_ = 	snop  }
0x5: {  	_ = 	snop  }
0x6: {  	_ = 	snop  }
0x7: {  	_ = 	snop  }
__scs_overlays_trampoline_lowered:
0x8: {  	[smem:$0x3FA5] =	sst s0  }
0x9: {  	[smem:$0x3FA6] =	sst s1  }
0xa: {  	[smem:$0x3FA7] =	sst s2  }
0xb: {  	[smem:$0x3FA8] =	sst s3  }
0xc: {  	[smem:$0x3FA9] =	sst s4  }
0xd: {  	[smem:$0x3FAA] =	sst s5  }
0xe: {  	[smem:$0x3FAB] =	sst s6  }
0xf: {  	[smem:$0x3FAC] =	sst s7  }
0x10: {  	[smem:$0x3FAD] =	sst s8  }
0x11: {  	[smem:$0x3FAE] =	sst s9;
	s0 =	simm.s32 @!p0 $0x0  }
0x12: {  	s1 =	sld [smem:$0x3F94];
	s0 =	simm.s32 @p0 $0x1  }
0x13: {  	[smem:$0x3FAF] =	sst s0;
	s0 =	simm.s32 @!p1 $0x0  }
0x14: {  	s2 =	sld [smem:$0x3F93];
	s0 =	simm.s32 @p1 $0x1  }
0x15: {  	[smem:$0x3FB0] =	sst s0;
	s0 =	simm.s32 @!p2 $0x0  }
0x16: {  	s3 =	sld [smem:$0x3FDB];
	s0 =	simm.s32 @p2 $0x1  }
0x17: {  	s4 =	simm.s32 $0x1BF5;
	[smem:$0x3FB2] =	sst s0  }
0x18: {  	s0 =	sld [smem:$0x3F95];
	_ =	swait.ge [sflag:s4], $0x0  }
0x19: {  	s7 =	sld [smem:$0x3F96]  }
0x1a: {  	s8 =	sadd.s32 $0xFFFFE003, lr  }
0x1b: {  	s9 =	sadd.s32 $0xFFFFFEF7, lr;
	s5 =	simm.s32 $0xFFFFFFFF;
	p2 =	slt.u32 s8, $0xFFFFF086  }
0x1c: {  	p1 =	slt.u32 s9, $0xF7A;
	s5 =	simm.s32 @!p2 $0x0  }
0x1d: {  	s5 =	simm.s32 @p1 $0x1;
	p0 =	seq.s32 s7, s2  }
0x1e: {  	s7 =	smul.u32 @!p0 $0xF7A, s2;
	p2 =	seq.s32 @!p0 s5, $0x0  }
0x1f: {  	s9 =	smul.u32 $0xF7A, s1;
	s8 =	simm.s32 @!p0 $0x1BF5;
	p2 =	por !p2, p0  }
0x20: {  	[sflag:s8] =	ssyncset.s32 @!p0 $0xFFFFF086;
	s6 =	sadd.s32 @!p0 s3, s7;
	s7 =	simm.s32 @!p0 $0x108  }
0x21: {  	s3 =	sadd.s32 s3, s9;
	s6 =	sadd.s32 @!p0 $0x88, s6;
	s7 =	simm.s32 @p2 $0x1082  }
0x22: {  	[simem:s7], [sflag:s8] =	dma.local @!p0 [hbm:s6], $0xF7A  }
0x23: {  	s9 =	sor.u32 $0xD0000000, s2;
	s6 =	simm.s32 $0x108;
	_ =	swait.ge @!p0 [sflag:s8], $0x0  }
0x24: {  	s3 =	sadd.s32 $0x88, s3;
	s6 =	simm.s32 @!p1 $0x1082;
	[sflag:s4] =	ssyncset.s32 $0xFFFFF086  }
0x25: {  	[simem:s6], [sflag:s4] =	dma.local [hbm:s3], $0xF7A  }
0x26: {  	[smem:$0x3F96] =	sst s1;
	(tag) =	ssettag s2;
	_ =	strace s9  }
0x27: {  	s1 =	sld [smem:$0x3FA6]  }
0x28: {  	s2 =	sld [smem:$0x3FA7]  }
0x29: {  	s4 =	sld [smem:$0x3FA9]  }
0x2a: {  	p0 =	seq.s32 s5, $0x0;
	s5 =	sld [smem:$0x3FAA]  }
0x2b: {  	s6 =	sld [smem:$0x3FAB]  }
0x2c: {  	s7 =	sld [smem:$0x3FAC]  }
0x2d: {  	s3 =	simm.s32 $0x108;
	s8 =	sld [smem:$0x3FAD]  }
0x2e: {  	s3 =	simm.s32 @!p0 $0x1082;
	s9 =	sld [smem:$0x3FAE]  }
0x2f: {  	lr =	sadd.s32 s0, s3;
	s0 =	sld [smem:$0x3FA5]  }
0x30: {  	s3 =	sld [smem:$0x3FA8]  }
0x31: {  	[smem:$0x3FB1] =	sst s10  }
0x32: {  	s10 =	sld [smem:$0x3FAF];
	_ =	sdelay $0x3  }
0x33: {  	p0 =	seq.s32 s10, $0x1;
	s10 =	sld [smem:$0x3FB1];
	_ =	sdelay $0x3  }
0x34: {  	[smem:$0x3FB1] =	sst s10  }
0x35: {  	s10 =	sld [smem:$0x3FB0];
	_ =	sdelay $0x3  }
0x36: {  	p1 =	seq.s32 s10, $0x1;
	s10 =	sld [smem:$0x3FB1];
	_ =	sdelay $0x3  }
0x37: {  	[smem:$0x3FB1] =	sst s10  }
0x38: {  	s10 =	sld [smem:$0x3FB2]  }
0x39: {  	_ = 	snop;
	(pc) =	sbr.ind lr, $3  }
0x3a: {  	_ = 	snop  }
0x3b: {  	_ = 	snop  }
0x3c: {  	p2 =	seq.s32 s10, $0x1;
	s10 =	sld [smem:$0x3FB1]  }
0x3d: {  	_ =	shalt  }
0x3e: {  	_ =	shalt  }
0x3f: {  	_ =	shalt  }
0x40: {  	_ =	shalt  }
0x41: {  	_ =	shalt  }
0x42: {  	_ =	shalt  }
0x43: {  	_ =	shalt  }
0x44: {  	_ =	shalt  }
0x45: {  	_ =	shalt  }
0x46: {  	_ =	shalt  }
0x47: {  	_ =	shalt  }
0x48: {  	_ =	shalt  }
0x49: {  	_ =	shalt  }
0x4a: {  	_ =	shalt  }
0x4b: {  	_ =	shalt  }
0x4c: {  	_ =	shalt  }
0x4d: {  	_ =	shalt  }
0x4e: {  	_ =	shalt  }
0x4f: {  	_ =	shalt  }
0x50: {  	_ =	shalt  }
0x51: {  	_ =	shalt  }
0x52: {  	_ =	shalt  }
0x53: {  	_ =	shalt  }
0x54: {  	_ =	shalt  }
0x55: {  	_ =	shalt  }
0x56: {  	_ =	shalt  }
0x57: {  	_ =	shalt  }
0x58: {  	_ =	shalt  }
0x59: {  	_ =	shalt  }
0x5a: {  	_ =	shalt  }
0x5b: {  	_ =	shalt  }
0x5c: {  	_ =	shalt  }
0x5d: {  	_ =	shalt  }
0x5e: {  	_ =	shalt  }
0x5f: {  	_ =	shalt  }
0x60: {  	_ =	shalt  }
0x61: {  	_ =	shalt  }
0x62: {  	_ =	shalt  }
0x63: {  	_ =	shalt  }
0x64: {  	_ =	shalt  }
0x65: {  	_ =	shalt  }
0x66: {  	_ =	shalt  }
0x67: {  	_ =	shalt  }
0x68: {  	_ =	shalt  }
0x69: {  	_ =	shalt  }
0x6a: {  	_ =	shalt  }
0x6b: {  	_ =	shalt  }
0x6c: {  	_ =	shalt  }
0x6d: {  	_ =	shalt  }
0x6e: {  	_ =	shalt  }
0x6f: {  	_ =	shalt  }
0x70: {  	_ =	shalt  }
0x71: {  	_ =	shalt  }
0x72: {  	_ =	shalt  }
0x73: {  	_ =	shalt  }
0x74: {  	_ =	shalt  }
0x75: {  	_ =	shalt  }
0x76: {  	_ =	shalt  }
0x77: {  	_ =	shalt  }
0x78: {  	_ =	shalt  }
0x79: {  	_ =	shalt  }
0x7a: {  	_ =	shalt  }
0x7b: {  	_ =	shalt  }
0x7c: {  	_ =	shalt  }
0x7d: {  	_ =	shalt  }
0x7e: {  	_ =	shalt  }
0x7f: {  	_ =	shalt  }
0x80: {  	_ =	shalt  }
0x81: {  	_ =	shalt  }
0x82: {  	_ =	shalt  }
0x83: {  	_ =	shalt  }
0x84: {  	_ =	shalt  }
0x85: {  	_ =	shalt  }
0x86: {  	_ =	shalt  }
0x87: {  	_ =	shalt  }
.Lfunc_end0:
.L_simem_size_0:
called_computation_lowered:
.L_overlay_start_0:
0x88: {  	s2 =	sld [smem:$0x3FD9]  }
0x89: {  	s3 =	sld [smem:$0x3FFE];
	_ =	sdelay $0x1  }
0x8a: {  	s1 =	srdreg.scid  }
0x8b: {  	s0 =	sand.u32 $0x1, s1  }
0x8c: {  	s16 =	sshll.u32 s0, $0xA;
	s2 =	sadd.s32 s3, s2  }
0x8d: {  	s2 =	sadd.s32 s2, s16  }
0x8e: {  	[smem:$0x3FBD] =	sst s2  }
0x8f: {  	_ = 	snop  }
0x90: {  	(tm) =	ssettm $0x1  }
0x91: {  	s17 =	sld [smem:$0x3FFB];
	_ =	sdelay $0x3  }
0x92: {  	_ =	strace s17  }
0x93: {  	s2 =	sld [smem:$0x3FFC];
	_ =	sdelay $0x3  }
0x94: {  	_ =	strace s2  }
0x95: {  	s2 =	sld [smem:$0x3FFD];
	_ =	sdelay $0x3  }
0x96: {  	_ =	strace s2  }
0x97: {  	_ =	strace $0x8FFFFFFF  }
0x98: {  	s18 =	sld [smem:$0x3FDB];
	_ =	sdelay $0x1  }
0x99: {  	s19 =	simm.s32 $_scs_section_size  }
0x9a: {  	s4 =	simm.s32 $_size__tile_overlayer_lowered;
	s5 =	simm.s32 $_tile_overlayer_lowered  }
0x9b: {  	s22 =	simm.s32 $0x1BFF;
	s21 =	sshll.u32 s5, $0x1;
	s2 =	sadd.s32 s19, s18  }
0x9c: {  	s6 =	simm.s32 $0x0;
	s20 =	sshll.u32 s4, $0x1;
	s4 =	sadd.s32 s21, s2  }
0x9d: {  	[timem:s6], [sflag:s22] =	dma.local [hbm:s4], s20  }
0x9e: {  	_ =	swait.ge [sflag:s22], s20  }
0x9f: {  	s3 =	ssub.s32 $0x0, s20;
	[sflag:s22] =	ssyncset.done $0x0  }
0xa0: {  	[sflag:s22] =	ssyncadd.s32 s3;
	_ =	sdelay $0x1  }
0xa1: {  	s23 =	simm.s32 $0x1B8B  }
0xa2: {  	_ =	swait.ge [sflag:s23], $0x1  }
0xa3: {  	[sflag:s23] =	ssyncset.done $0x0  }
0xa4: {  	s25 =	simm.s32 $0x1B8E;
	s24 =	sld [smem:$0x3FFE];
	[sflag:s23] =	ssyncadd.s32 $0xFFFFFFFF  }
0xa5: {  	s26 =	simm.s32 $execute0_lowered;
	[smem:$0x3FD2] =	sst s25  }
0xa6: {  	s4 =	sshll.u32 s26, $0x1;
	_ =	strace $0x80000046;
	[dreg:$0x1] =	wrdreg $0xFFFFFFFF  }
0xa7: {  	s28 =	simm.s32 $_size_execute0_lowered;
	s2 =	sadd.s32 s2, s4;
	[dreg:$0x0] =	wrdreg $0x0  }
0xa8: {  	s4 =	sshll.u32 s28, $0x1;
	[dreg:$0x2] =	wrdreg s2  }
0xa9: {  	[dreg:$0x3] =	wrdreg s4  }
0xaa: {  	[dreg:$0x4] =	wrdreg $0xC0  }
0xab: {  	_ =	task [dreg:s6], $0x5FFFF  }
0xac: {  	[dreg:$0x1] =	wrdreg $0xFFFFFFFF  }
0xad: {  	[dreg:$0x0] =	wrdreg $0x60  }
0xae: {  	[dreg:$0x2] =	wrdreg s24  }
0xaf: {  	[dreg:$0x3] =	wrdreg $0x7E800  }
0xb0: {  	[dreg:$0x4] =	wrdreg $0x9  }
0xb1: {  	_ =	task.clear_ibuf [dreg:s6], $0x5FFFF;
	_ =	strace $0x90000046  }
0xb2: {  	s29 =	simm.s32 $0x9;
	_ =	strace $0x80000048  }
0xb3: {  	_ =	swait.ge [sflag:s29], $0x1  }
0xb4: {  	[sflag:s29] =	ssyncadd.s32 $0xFFFFFFFF  }
0xb5: {  	_ =	strace $0x90000048  }
0xb6: {  	_ =	sfence  }
0xb7: {  	s30 =	sld [smem:$0x0];
	_ =	sdelay $0x2  }
0xb8: {  	s31 =	sshll.u32 s1, $0xD;
	s1 =	sshrl.u32 s1, $0x2  }
0xb9: {  	s3 =	sand.u32 $0x4000, s31;
	s1 =	sadd.s32 s1, s30  }
0xba: {  	s0 =	sor.u32 s3, s0;
	s1 =	sshll.u32 s1, $0x11  }
0xbb: {  	s0 =	sor.u32 s1, s0  }
0xbc: {  	s0 =	sadd.s32 $0x8F2B, s0  }
0xbd: {  	[sflag:s0] =	ssyncadd.remote.s32 $0x1  }
0xbe: {  	_ =	sfence.sel $0xFFFF  }
0xbf: {  	[dreg:$0x0] =	wrdreg $0xFFFFFFFF;
	(pc) =	sbr.abs _section_cstart, $3  }
0xc0: {  	[dreg:$0x1] =	wrdreg $0xFFFFFFFF  }
0xc1: {  	_ =	task.clear_ibuf [dreg:s6], $0x2FFFF;
	_ =	strace $0x9FFFFFFF  }
0xc2: {  	(tm) =	ssettm $0x7FFFFFFF  }
0xc3: {  	_ =	shalt  }
tec
execute0_lowered:
.L_overlay_start_1:
0x0: {  	(tag) =	ssettag $0x1  }
0x1: {  	s1 =	srdreg.scid  }
0x2: {  	s0 =	stileid.u32;
	s5 =	rddreg [dreg:$0x0]  }
0x3: {  	s7 =	rddreg [dreg:$0x1];
	s2 =	simm.s32 $0x0;
	s13 =	simm.s32 $0x2800  }
0x4: {  	s14 =	simm.s32 $0x7800;
	s15 =	simm.s32 $0x7880;
	s16 =	simm.s32 $0x5000  }
0x5: {  	s17 =	simm.s32 $0x7900;
	s18 =	simm.s32 $0x80;
	s19 =	simm.s32 $0x400  }
0x6: {  	s20 =	simm.s32 $0x7980;
	s21 =	simm.s32 $0x7C00;
	s22 =	simm.s32 $0x100  }
0x7: {  	s6 =	sand.u32 $0x1, s1;
	s3 =	smul.u32 $0x4E20, s0;
	s1 =	rddreg [dreg:$0x2]  }
0x8: {  	s23 =	simm.s32 $0x0;
	[smem:$0x7FF] =	sst s2;
	s26 =	smul.u32 $0x500, s0  }
0x9: {  	s28 =	sshrl.u32 s0, $0x3;
	s30 =	sshll.u32 s0, $0x7;
	s10 =	smul.u32 $0x5000, s0  }
0xa: {  	s4 =	smul.u32 $0x2710, s6;
	_ =	strace $0x80000047;
	s29 =	ssub.s32 $0x2, s6  }
0xb: {  	s8 =	sshll.u32 s6, $0x7;
	s6 =	sand.u32 $0x380, s30;
	s12 =	sshrl.u32 s29, $0x1  }
0xc: {  	s3 =	sadd.s32 s4, s3;
	s4 =	sor.u32 s8, s26;
	s8 =	smul.u32 $0x50000, s28  }
0xd: {  	s31 =	sshrl.u32 s10, $0x2;
	s12 =	ssub.s32 s29, s12;
	s3 =	sshrl.u32 s3, $0x3  }
0xe: {  	s9 =	sshrl.u32 s4, $0x3;
	s4 =	sadd.s32 $0x1200, s5;
	s8 =	sshrl.u32 s8, $0x2  }
0xf: {  	s11 =	sadd.s32 s3, s5;
	s3 =	sadd.s32 $0xC00, s5;
	s8 =	sadd.s32 s8, s7  }
0x10: {  	s9 =	sadd.s32 s9, s5;
	s10 =	sadd.s32 $0x1800, s11;
	s5 =	sadd.s32 s6, s8  }
0x11: {  	s6 =	sadd.s32 s31, s7;
	s7 =	sadd.s32 $0x1F200, s9;
	s8 =	smax.u32 s12, $0x1  }
0x12: {  	v0 =	vimm.f32 $0.0e+00;
	s9 =	sadd.s32 $0x15400, s11;
	s11 =	sadd.s32 $0xB600, s11;
	s12 =	simm.s32 $0x1  }
.LBB2_1:
0x13: {  	[tilespmem:s2], [sflag:$0x1] =	stream.linear.gather [hbm4b:s3+s2], $0x2800, $0x38;
	[tilespmem:$0xA680] =	vst v63  }
0x14: {  	_ =	swait.ge [sflag:s12], $0x2800  }
0x15: {  	[sflag:s12] =	ssyncset.done $0x0  }
0x16: {  	[sflag:s12] =	ssyncadd.s32 $0xFFFFD800  }
0x17: {  	[tilespmem:s13], [sflag:$0x1] =	stream.linear.gather [hbm4b:s4+s2], $0x2800, $0x38;
	[tilespmem:$0xA680] =	vst v63  }
0x18: {  	_ =	swait.ge [sflag:s12], $0x2800  }
0x19: {  	[sflag:s12] =	ssyncset.done $0x0  }
0x1a: {  	s24 =	simm.s32 $0x0;
	[sflag:s12] =	ssyncadd.s32 $0xFFFFD800  }
.LBB2_2:
0x1b: {  	p0 =	sne.s32 s24, $0x9FC0  }
.Ltmp0:
0x1c: {  	_ = 	snop;
	(pc) =	sbr.rel @p0 .LBB2_2-.Ltmp0, $3  }
0x1d: {  	_ =	sdelay $0x1  }
0x1e: {  	s25 =	sshra.s32 s24, $0x2  }
0x1f: {  	s24 =	sadd.s32 $0x40, s24;
	[tilespmem:s25+$0x5000] =	vst v0  }
0x20: {  	s24 =	simm.s32 $0x0  }
.LBB2_4:
0x21: {  	s25 =	sadd.s32 s24, s11  }
0x22: {  	[tilespmem:s14], [sflag:$0x1] =	stream.linear.gather [hbm4b:s25+s2], $0x50, $0x38;
	[tilespmem:$0xA680] =	vst v63  }
0x23: {  	_ =	swait.ge [sflag:s12], $0x50  }
0x24: {  	[sflag:s12] =	ssyncset.done $0x0  }
0x25: {  	s30 =	sadd.s32 s24, s10;
	[sflag:s12] =	ssyncadd.s32 $0xFFFFFFB0  }
0x26: {  	[tilespmem:s15], [sflag:$0x1] =	stream.linear.gather [hbm4b:s30+s2], $0x50, $0x38;
	[tilespmem:$0xA680] =	vst v63  }
0x27: {  	_ =	swait.ge [sflag:s12], $0x50  }
0x28: {  	[sflag:s12] =	ssyncset.done $0x0  }
0x29: {  	[sflag:s12] =	ssyncadd.s32 $0xFFFFFFB0  }
0x2a: {  	v1 =	vld [tilespmem:$0x7800]  }
0x2b: {  	v2 =	vld [tilespmem:$0x7880];
	_ =	sdelay $0x6  }
0x2c: {  	v3 =	vld.idx.msk [tilespmem:v1+s2+$0x0], $0xffff  }
0x2d: {  	v2 =	vld.idx.msk [tilespmem:v2+s13+$0x0], $0xffff;
	_ =	sdelay $0x4  }
0x2e: {  	v2 =	vadd.f32 v2, v3;
	_ =	sdelay $0x1  }
0x2f: {  	v3 =	vmul.f32 $9.999999770e-03, v2  }
0x30: {  	vm0 =	vgt.f32 v2, $0.0e+00  }
0x31: {  	v2 =	vsel vm0, v2, v3  }
0x32: {  	v2 =	vmul.f32 $1.442695020e+00, v2;
	_ =	sdelay $0x1  }
0x33: {  	(erf) = vpow2.f32 v2;
	_ =	sdelay $0x8  }
0x34: {  	v2 =	vpop (erf)  }
0x35: {  	[tilespmem:$0x7900] =	vst v2  }
0x36: {  	[tilespmem:v1+s16+$0x0] =	vst.idx.add.f32.msk $0xffff, v2  }
0x37: {  	v1 =	vld [tilespmem:$0x7810]  }
0x38: {  	v2 =	vld [tilespmem:$0x7890];
	_ =	sdelay $0x6  }
0x39: {  	v3 =	vld.idx.msk [tilespmem:v1+s2+$0x0], $0xffff  }
0x3a: {  	v2 =	vld.idx.msk [tilespmem:v2+s13+$0x0], $0xffff;
	_ =	sdelay $0x4  }
0x3b: {  	v2 =	vadd.f32 v2, v3;
	_ =	sdelay $0x1  }
0x3c: {  	v3 =	vmul.f32 $9.999999770e-03, v2  }
0x3d: {  	vm12 =	vgt.f32 v2, $0.0e+00  }
0x3e: {  	v2 =	vsel vm12, v2, v3  }
0x3f: {  	v2 =	vmul.f32 $1.442695020e+00, v2;
	_ =	sdelay $0x1  }
0x40: {  	(erf) = vpow2.f32 v2;
	_ =	sdelay $0x8  }
0x41: {  	v2 =	vpop (erf)  }
0x42: {  	[tilespmem:$0x7910] =	vst v2  }
0x43: {  	[tilespmem:v1+s16+$0x0] =	vst.idx.add.f32.msk $0xffff, v2  }
0x44: {  	v1 =	vld [tilespmem:$0x7820]  }
0x45: {  	v2 =	vld [tilespmem:$0x78A0];
	_ =	sdelay $0x6  }
0x46: {  	v3 =	vld.idx.msk [tilespmem:v1+s2+$0x0], $0xffff  }
0x47: {  	v2 =	vld.idx.msk [tilespmem:v2+s13+$0x0], $0xffff;
	_ =	sdelay $0x4  }
0x48: {  	v2 =	vadd.f32 v2, v3;
	_ =	sdelay $0x1  }
0x49: {  	v3 =	vmul.f32 $9.999999770e-03, v2  }
0x4a: {  	vm13 =	vgt.f32 v2, $0.0e+00  }
0x4b: {  	v2 =	vsel vm13, v2, v3  }
0x4c: {  	v2 =	vmul.f32 $1.442695020e+00, v2;
	_ =	sdelay $0x1  }
0x4d: {  	(erf) = vpow2.f32 v2;
	_ =	sdelay $0x8  }
0x4e: {  	v2 =	vpop (erf)  }
0x4f: {  	[tilespmem:$0x7920] =	vst v2  }
0x50: {  	[tilespmem:v1+s16+$0x0] =	vst.idx.add.f32.msk $0xffff, v2  }
0x51: {  	v1 =	vld [tilespmem:$0x7830]  }
0x52: {  	v2 =	vld [tilespmem:$0x78B0];
	_ =	sdelay $0x6  }
0x53: {  	v3 =	vld.idx.msk [tilespmem:v1+s2+$0x0], $0xffff  }
0x54: {  	v2 =	vld.idx.msk [tilespmem:v2+s13+$0x0], $0xffff;
	_ =	sdelay $0x4  }
0x55: {  	v2 =	vadd.f32 v2, v3;
	_ =	sdelay $0x1  }
0x56: {  	v3 =	vmul.f32 $9.999999770e-03, v2  }
0x57: {  	vm14 =	vgt.f32 v2, $0.0e+00  }
0x58: {  	v2 =	vsel vm14, v2, v3  }
0x59: {  	v2 =	vmul.f32 $1.442695020e+00, v2;
	_ =	sdelay $0x1  }
0x5a: {  	(erf) = vpow2.f32 v2;
	_ =	sdelay $0x8  }
0x5b: {  	v2 =	vpop (erf)  }
0x5c: {  	[tilespmem:$0x7930] =	vst v2  }
0x5d: {  	[tilespmem:v1+s16+$0x0] =	vst.idx.add.f32.msk $0xffff, v2  }
0x5e: {  	v1 =	vld [tilespmem:$0x7840]  }
0x5f: {  	v2 =	vld [tilespmem:$0x78C0];
	_ =	sdelay $0x6  }
0x60: {  	v3 =	vld.idx.msk [tilespmem:v1+s2+$0x0], $0xffff  }
0x61: {  	v2 =	vld.idx.msk [tilespmem:v2+s13+$0x0], $0xffff;
	_ =	sdelay $0x4  }
0x62: {  	v2 =	vadd.f32 v2, v3;
	_ =	sdelay $0x1  }
0x63: {  	v3 =	vmul.f32 $9.999999770e-03, v2  }
0x64: {  	vm15 =	vgt.f32 v2, $0.0e+00  }
0x65: {  	v2 =	vsel vm15, v2, v3  }
0x66: {  	v2 =	vmul.f32 $1.442695020e+00, v2;
	_ =	sdelay $0x1  }
0x67: {  	(erf) = vpow2.f32 v2;
	_ =	sdelay $0x8  }
0x68: {  	v2 =	vpop (erf)  }
0x69: {  	p0 =	sne.s32 s24, $0x4D8;
	[tilespmem:$0x7940] =	vst v2  }
.Ltmp1:
0x6a: {  	s31 =	sadd.s32 s24, s9;
	[tilespmem:v1+s16+$0x0] =	vst.idx.add.f32.msk $0xffff, v2;
	(pc) =	sbr.rel @p0 .LBB2_4-.Ltmp1, $4  }
0x6b: {  	[hbm4b:s31+s2] =	stream.linear.scatter [tilespmem:s17], [sflag:$0x1], $0x50, $0x38;
	[tilespmem:$0xA680] =	vst v63  }
0x6c: {  	_ =	swait.ge [sflag:s12], $0x50  }
0x6d: {  	[sflag:s12] =	ssyncset.done $0x0  }
0x6e: {  	s24 =	sadd.s32 $0xA, s24;
	[sflag:s12] =	ssyncadd.s32 $0xFFFFFFB0  }
0x6f: {  	[spmem:s5] =	stream.strided.scatter [tilespmem:s16], [sflag:$0x1], $0x2800, s19, s18, $0x38;
	[tilespmem:$0xA680] =	vst v63  }
0x70: {  	s24 =	simm.s32 $0x1  }
0x71: {  	_ =	swait.ge [sflag:s24], $0x2800  }
0x72: {  	[sflag:s24] =	ssyncset.done $0x0  }
0x73: {  	[sflag:s24] =	ssyncadd.s32 $0xFFFFD800  }
0x74: {  	[bflag:$0x0] =	sbarrier.arrive $0xFFFF  }
0x75: {  	[tilespmem:s20], [sflag:$0x1] =	stream.strided.gather [spmem:s6], $0x280, s19, s18, $0x38;
	[tilespmem:$0xA680] =	vst v63  }
0x76: {  	_ =	swait.ge [sflag:s24], $0x280  }
0x77: {  	[sflag:s24] =	ssyncset.done $0x0  }
0x78: {  	[sflag:s24] =	ssyncadd.s32 $0xFFFFFD80  }
.LBB2_6:
0x79: {  	s25 =	sshrl.u32 s24, $0x3  }
0x7a: {  	s25 =	smul.u32 $0x50000, s25;
	_ =	sdelay $0x1  }
0x7b: {  	s26 =	sshll.u32 s24, $0x7;
	s25 =	sshra.s32 s25, $0x2  }
0x7c: {  	s26 =	sand.u32 $0x380, s26;
	s25 =	sadd.s32 s25, s6  }
0x7d: {  	s25 =	sadd.s32 s26, s25  }
0x7e: {  	[tilespmem:s21], [sflag:$0x1] =	stream.strided.gather [spmem:s25], $0x280, s19, s18, $0x38;
	[tilespmem:$0xA680] =	vst v63  }
0x7f: {  	_ =	swait.ge [sflag:s12], $0x280  }
0x80: {  	[sflag:s12] =	ssyncset.done $0x0  }
0x81: {  	s25 =	simm.s32 $0x0;
	[sflag:s12] =	ssyncadd.s32 $0xFFFFFD80  }
0x82: {  	s26 =	simm.s32 $0x40;
	v1 =	vld [tilespmem:s25+$0x7C00]  }
.LBB2_7:
0x83: {  	p0 =	sne.s32 s26, $0x9C0;
	v2 =	vld [tilespmem:s25+$0x7980];
	_ =	sdelay $0x2  }
.Ltmp2:
0x84: {  	(pc) =	sbr.rel @p0 .LBB2_7-.Ltmp2, $4  }
0x85: {  	_ = 	snop  }
0x86: {  	v2 =	vadd.f32 v1, v2  }
0x87: {  	s28 =	sshra.s32 s26, $0x2  }
0x88: {  	s26 =	sadd.s32 $0x40, s26;
	v1 =	vld [tilespmem:s28+$0x7C00];
	[tilespmem:s25+$0x7980] =	vst v2;
	s25 =	smov.u32 s28  }
0x89: {  	v2 =	vld [tilespmem:s25+$0x7980]  }
0x8a: {  	s24 =	sadd.s32 $0x1, s24  }
0x8b: {  	p0 =	sne.s32 s24, $0x10  }
.Ltmp3:
0x8c: {  	_ = 	snop;
	(pc) =	sbr.rel @p0 .LBB2_6-.Ltmp3, $3  }
0x8d: {  	_ = 	snop  }
0x8e: {  	v1 =	vadd.f32 v1, v2;
	_ =	sdelay $0x1  }
0x8f: {  	[tilespmem:s25+$0x7980] =	vst v1  }
0x90: {  	s23 =	sadd.s32 $0x1, s23  }
0x91: {  	p0 =	sne.s32 s23, s8  }
.Ltmp4:
0x92: {  	_ = 	snop;
	(pc) =	sbr.rel @p0 .LBB2_1-.Ltmp4, $4  }
0x93: {  	[hbm4b:s7+s18] =	stream.strided.scatter [tilespmem:s20], [sflag:$0x1], $0x280, s22, s18, $0x38;
	[tilespmem:$0xA680] =	vst v63  }
0x94: {  	_ =	swait.ge [sflag:s12], $0x280  }
0x95: {  	[sflag:s12] =	ssyncset.done $0x0  }
0x96: {  	[sflag:s12] =	ssyncadd.s32 $0xFFFFFD80  }
0x97: {  	_ =	sfence.sel $0x180000  }
0x98: {  	[bflag:$0x0] =	sbarrier.arrive $0xFFFF  }
0x99: {  	p0 =	sne.s32 s0, $0x0;
	_ =	strace $0x90000047  }
0x9a: {  	s0 =	sadd.s32 @!p0 $0x100000, s1;
	[bflag:$0x2] =	sbarrier.arrive $0xFFFF  }
0x9b: {  	[sflag:s0] =	ssyncadd.tile.s32 @!p0 $0x1;
	_ =	shalt  }
.Lfunc_end2:
_tile_overlayer_lowered:
.L_overlay_start_2:
0x9c: {  	(tag) =	ssettag $0x2  }
0x9d: {  	s0 =	rddreg [dreg:$0x0];
	s2 =	stileid.u32  }
0x9e: {  	s1 =	rddreg [dreg:$0x1];
	p0 =	sne.s32 s2, $0x0  }
0x9f: {  	s3 =	rddreg [dreg:$0x2];
	[bflag:$0x3] =	sbarrier.arrive $0xFFFF;
	s2 =	simm.s32 @!p0 $0x1C01  }
0xa0: {  	[timem:s3], [sflag:s2] =	dma.local @!p0 [hbm:s0], s1  }
0xa1: {  	s0 =	simm.s32 @!p0 $0x1  }
0xa2: {  	_ =	swait.ge @!p0 [sflag:s0], s1  }
0xa3: {  	s1 =	ssub.s32 @!p0 $0x0, s1;
	[sflag:s0] =	ssyncset.done @!p0 $0x0  }
0xa4: {  	[sflag:s0] =	ssyncadd.s32 @!p0 s1  }
0xa5: {  	[bflag:$0x3] =	sbarrier.arrive $0xFFFF  }
0xa6: {  	_ =	shalt  }

// kernel: kernel.9.cloned.1.call-start
scs
__scs_entry_jumppad:
0x0: {  	(pc) =	sbr.rel $0x88, $3  }
0x1: {  	(tag) =	ssettag $0x0;
	lr =	simm.s32 $0x1  }
0x2: {  	[smem:$0x3F96] =	sst lr;
	_ =	strace $0xD0000000  }
0x3: {  	_ = 	snop  }
0x4: {  	_ = 	snop  }
0x5: {  	_ = 	snop  }
0x6: {  	_ = 	snop  }
0x7: {  	_ = 	snop  }
__scs_overlays_trampoline_lowered:
0x8: {  	[smem:$0x3FA5] =	sst s0  }
0x9: {  	[smem:$0x3FA6] =	sst s1  }
0xa: {  	[smem:$0x3FA7] =	sst s2  }
0xb: {  	[smem:$0x3FA8] =	sst s3  }
0xc: {  	[smem:$0x3FA9] =	sst s4  }
0xd: {  	[smem:$0x3FAA] =	sst s5  }
0xe: {  	[smem:$0x3FAB] =	sst s6  }
0xf: {  	[smem:$0x3FAC] =	sst s7  }
0x10: {  	[smem:$0x3FAD] =	sst s8  }
0x11: {  	[smem:$0x3FAE] =	sst s9;
	s0 =	simm.s32 @!p0 $0x0  }
0x12: {  	s1 =	sld [smem:$0x3F94];
	s0 =	simm.s32 @p0 $0x1  }
0x13: {  	[smem:$0x3FAF] =	sst s0;
	s0 =	simm.s32 @!p1 $0x0  }
0x14: {  	s2 =	sld [smem:$0x3F93];
	s0 =	simm.s32 @p1 $0x1  }
0x15: {  	[smem:$0x3FB0] =	sst s0;
	s0 =	simm.s32 @!p2 $0x0  }
0x16: {  	s3 =	sld [smem:$0x3FDB];
	s0 =	simm.s32 @p2 $0x1  }
0x17: {  	s4 =	simm.s32 $0x1BF5;
	[smem:$0x3FB2] =	sst s0  }
0x18: {  	s0 =	sld [smem:$0x3F95];
	_ =	swait.ge [sflag:s4], $0x0  }
0x19: {  	s7 =	sld [smem:$0x3F96]  }
0x1a: {  	s8 =	sadd.s32 $0xFFFFE003, lr  }
0x1b: {  	s9 =	sadd.s32 $0xFFFFFEF7, lr;
	s5 =	simm.s32 $0xFFFFFFFF;
	p2 =	slt.u32 s8, $0xFFFFF086  }
0x1c: {  	p1 =	slt.u32 s9, $0xF7A;
	s5 =	simm.s32 @!p2 $0x0  }
0x1d: {  	s5 =	simm.s32 @p1 $0x1;
	p0 =	seq.s32 s7, s2  }
0x1e: {  	s7 =	smul.u32 @!p0 $0xF7A, s2;
	p2 =	seq.s32 @!p0 s5, $0x0  }
0x1f: {  	s9 =	smul.u32 $0xF7A, s1;
	s8 =	simm.s32 @!p0 $0x1BF5;
	p2 =	por !p2, p0  }
0x20: {  	[sflag:s8] =	ssyncset.s32 @!p0 $0xFFFFF086;
	s6 =	sadd.s32 @!p0 s3, s7;
	s7 =	simm.s32 @!p0 $0x108  }
0x21: {  	s3 =	sadd.s32 s3, s9;
	s6 =	sadd.s32 @!p0 $0x88, s6;
	s7 =	simm.s32 @p2 $0x1082  }
0x22: {  	[simem:s7], [sflag:s8] =	dma.local @!p0 [hbm:s6], $0xF7A  }
0x23: {  	s9 =	sor.u32 $0xD0000000, s2;
	s6 =	simm.s32 $0x108;
	_ =	swait.ge @!p0 [sflag:s8], $0x0  }
0x24: {  	s3 =	sadd.s32 $0x88, s3;
	s6 =	simm.s32 @!p1 $0x1082;
	[sflag:s4] =	ssyncset.s32 $0xFFFFF086  }
0x25: {  	[simem:s6], [sflag:s4] =	dma.local [hbm:s3], $0xF7A  }
0x26: {  	[smem:$0x3F96] =	sst s1;
	(tag) =	ssettag s2;
	_ =	strace s9  }
0x27: {  	s1 =	sld [smem:$0x3FA6]  }
0x28: {  	s2 =	sld [smem:$0x3FA7]  }
0x29: {  	s4 =	sld [smem:$0x3FA9]  }
0x2a: {  	p0 =	seq.s32 s5, $0x0;
	s5 =	sld [smem:$0x3FAA]  }
0x2b: {  	s6 =	sld [smem:$0x3FAB]  }
0x2c: {  	s7 =	sld [smem:$0x3FAC]  }
0x2d: {  	s3 =	simm.s32 $0x108;
	s8 =	sld [smem:$0x3FAD]  }
0x2e: {  	s3 =	simm.s32 @!p0 $0x1082;
	s9 =	sld [smem:$0x3FAE]  }
0x2f: {  	lr =	sadd.s32 s0, s3;
	s0 =	sld [smem:$0x3FA5]  }
0x30: {  	s3 =	sld [smem:$0x3FA8]  }
0x31: {  	[smem:$0x3FB1] =	sst s10  }
0x32: {  	s10 =	sld [smem:$0x3FAF];
	_ =	sdelay $0x3  }
0x33: {  	p0 =	seq.s32 s10, $0x1;
	s10 =	sld [smem:$0x3FB1];
	_ =	sdelay $0x3  }
0x34: {  	[smem:$0x3FB1] =	sst s10  }
0x35: {  	s10 =	sld [smem:$0x3FB0];
	_ =	sdelay $0x3  }
0x36: {  	p1 =	seq.s32 s10, $0x1;
	s10 =	sld [smem:$0x3FB1];
	_ =	sdelay $0x3  }
0x37: {  	[smem:$0x3FB1] =	sst s10  }
0x38: {  	s10 =	sld [smem:$0x3FB2]  }
0x39: {  	_ = 	snop;
	(pc) =	sbr.ind lr, $3  }
0x3a: {  	_ = 	snop  }
0x3b: {  	_ = 	snop  }
0x3c: {  	p2 =	seq.s32 s10, $0x1;
	s10 =	sld [smem:$0x3FB1]  }
0x3d: {  	_ =	shalt  }
0x3e: {  	_ =	shalt  }
0x3f: {  	_ =	shalt  }
0x40: {  	_ =	shalt  }
0x41: {  	_ =	shalt  }
0x42: {  	_ =	shalt  }
0x43: {  	_ =	shalt  }
0x44: {  	_ =	shalt  }
0x45: {  	_ =	shalt  }
0x46: {  	_ =	shalt  }
0x47: {  	_ =	shalt  }
0x48: {  	_ =	shalt  }
0x49: {  	_ =	shalt  }
0x4a: {  	_ =	shalt  }
0x4b: {  	_ =	shalt  }
0x4c: {  	_ =	shalt  }
0x4d: {  	_ =	shalt  }
0x4e: {  	_ =	shalt  }
0x4f: {  	_ =	shalt  }
0x50: {  	_ =	shalt  }
0x51: {  	_ =	shalt  }
0x52: {  	_ =	shalt  }
0x53: {  	_ =	shalt  }
0x54: {  	_ =	shalt  }
0x55: {  	_ =	shalt  }
0x56: {  	_ =	shalt  }
0x57: {  	_ =	shalt  }
0x58: {  	_ =	shalt  }
0x59: {  	_ =	shalt  }
0x5a: {  	_ =	shalt  }
0x5b: {  	_ =	shalt  }
0x5c: {  	_ =	shalt  }
0x5d: {  	_ =	shalt  }
0x5e: {  	_ =	shalt  }
0x5f: {  	_ =	shalt  }
0x60: {  	_ =	shalt  }
0x61: {  	_ =	shalt  }
0x62: {  	_ =	shalt  }
0x63: {  	_ =	shalt  }
0x64: {  	_ =	shalt  }
0x65: {  	_ =	shalt  }
0x66: {  	_ =	shalt  }
0x67: {  	_ =	shalt  }
0x68: {  	_ =	shalt  }
0x69: {  	_ =	shalt  }
0x6a: {  	_ =	shalt  }
0x6b: {  	_ =	shalt  }
0x6c: {  	_ =	shalt  }
0x6d: {  	_ =	shalt  }
0x6e: {  	_ =	shalt  }
0x6f: {  	_ =	shalt  }
0x70: {  	_ =	shalt  }
0x71: {  	_ =	shalt  }
0x72: {  	_ =	shalt  }
0x73: {  	_ =	shalt  }
0x74: {  	_ =	shalt  }
0x75: {  	_ =	shalt  }
0x76: {  	_ =	shalt  }
0x77: {  	_ =	shalt  }
0x78: {  	_ =	shalt  }
0x79: {  	_ =	shalt  }
0x7a: {  	_ =	shalt  }
0x7b: {  	_ =	shalt  }
0x7c: {  	_ =	shalt  }
0x7d: {  	_ =	shalt  }
0x7e: {  	_ =	shalt  }
0x7f: {  	_ =	shalt  }
0x80: {  	_ =	shalt  }
0x81: {  	_ =	shalt  }
0x82: {  	_ =	shalt  }
0x83: {  	_ =	shalt  }
0x84: {  	_ =	shalt  }
0x85: {  	_ =	shalt  }
0x86: {  	_ =	shalt  }
0x87: {  	_ =	shalt  }
.Lfunc_end0:
.L_simem_size_0:
called_computation.1_lowered:
.L_overlay_start_0:
0x88: {  	s2 =	sld [smem:$0x3FD9]  }
0x89: {  	s3 =	sld [smem:$0x3FFE];
	_ =	sdelay $0x1  }
0x8a: {  	s1 =	srdreg.scid  }
0x8b: {  	s0 =	sand.u32 $0x1, s1  }
0x8c: {  	s17 =	sshll.u32 s0, $0xA;
	s2 =	sadd.s32 s3, s2  }
0x8d: {  	s2 =	sadd.s32 s2, s17  }
0x8e: {  	[smem:$0x3FBD] =	sst s2  }
0x8f: {  	_ = 	snop  }
0x90: {  	s2 =	sld [smem:$0x3FD0];
	(tm) =	ssettm $0x1  }
0x91: {  	s18 =	sld [smem:$0x3FFB];
	_ =	sdelay $0x3  }
0x92: {  	_ =	strace s18  }
0x93: {  	s3 =	sld [smem:$0x3FFC];
	_ =	sdelay $0x3  }
0x94: {  	_ =	strace s3  }
0x95: {  	s3 =	sld [smem:$0x3FFD];
	_ =	sdelay $0x3  }
0x96: {  	_ =	strace s3  }
0x97: {  	_ =	strace $0x8FFFFFFF  }
0x98: {  	s19 =	sld [smem:$0x3FDB];
	_ =	sdelay $0x1  }
0x99: {  	s4 =	simm.s32 $_scs_section_size  }
0x9a: {  	s5 =	simm.s32 $_size__tile_overlayer_lowered;
	s6 =	simm.s32 $_tile_overlayer_lowered  }
0x9b: {  	s22 =	simm.s32 $0x1BFF;
	s21 =	sshll.u32 s6, $0x1;
	s3 =	sadd.s32 s4, s19  }
0x9c: {  	s7 =	simm.s32 $0x0;
	s20 =	sshll.u32 s5, $0x1;
	s5 =	sadd.s32 s21, s3  }
0x9d: {  	[timem:s7], [sflag:s22] =	dma.local [hbm:s5], s20  }
0x9e: {  	_ =	swait.ge [sflag:s22], s20  }
0x9f: {  	s4 =	ssub.s32 $0x0, s20;
	[sflag:s22] =	ssyncset.done $0x0  }
0xa0: {  	[sflag:s22] =	ssyncadd.s32 s4;
	_ =	sdelay $0x1  }
0xa1: {  	s23 =	simm.s32 $0x1B8B  }
0xa2: {  	_ =	swait.ge [sflag:s23], $0x1  }
0xa3: {  	[sflag:s23] =	ssyncset.done $0x0  }
0xa4: {  	s25 =	simm.s32 $0x1B8E;
	s24 =	sld [smem:$0x3FFE];
	[sflag:s23] =	ssyncadd.s32 $0xFFFFFFFF  }
0xa5: {  	s26 =	simm.s32 $execute0_lowered;
	[smem:$0x3FD2] =	sst s25  }
0xa6: {  	s5 =	sshll.u32 s26, $0x1;
	_ =	strace $0x80000049;
	[dreg:$0x1] =	wrdreg $0xFFFFFFFF  }
0xa7: {  	s28 =	simm.s32 $_size_execute0_lowered;
	s3 =	sadd.s32 s3, s5;
	[dreg:$0x0] =	wrdreg $0x0  }
0xa8: {  	s5 =	sshll.u32 s28, $0x1;
	[dreg:$0x2] =	wrdreg s3  }
0xa9: {  	[dreg:$0x3] =	wrdreg s5  }
0xaa: {  	[dreg:$0x4] =	wrdreg $0xC0  }
0xab: {  	_ =	task [dreg:s7], $0x5FFFF  }
0xac: {  	[dreg:$0x1] =	wrdreg $0xFFFFFFFF  }
0xad: {  	[dreg:$0x0] =	wrdreg $0x60  }
0xae: {  	[dreg:$0x2] =	wrdreg s24  }
0xaf: {  	[dreg:$0x3] =	wrdreg s2  }
0xb0: {  	[dreg:$0x4] =	wrdreg $0xBA000  }
0xb1: {  	[dreg:$0x5] =	wrdreg $0x9  }
0xb2: {  	_ =	task.clear_ibuf [dreg:s7], $0x6FFFF;
	_ =	strace $0x90000049  }
0xb3: {  	s29 =	simm.s32 $0x9;
	_ =	strace $0x8000004B  }
0xb4: {  	_ =	swait.ge [sflag:s29], $0x1  }
0xb5: {  	[sflag:s29] =	ssyncadd.s32 $0xFFFFFFFF  }
0xb6: {  	_ =	strace $0x9000004B  }
0xb7: {  	_ =	sfence  }
0xb8: {  	s30 =	sld [smem:$0x0];
	_ =	sdelay $0x2  }
0xb9: {  	s31 =	sshll.u32 s1, $0xD;
	s1 =	sshrl.u32 s1, $0x2  }
0xba: {  	s3 =	sand.u32 $0x4000, s31;
	s1 =	sadd.s32 s1, s30  }
0xbb: {  	s0 =	sor.u32 s3, s0;
	s1 =	sshll.u32 s1, $0x11  }
0xbc: {  	s0 =	sor.u32 s1, s0  }
0xbd: {  	s0 =	sadd.s32 $0x8F2B, s0  }
0xbe: {  	[sflag:s0] =	ssyncadd.remote.s32 $0x1  }
0xbf: {  	_ =	sfence.sel $0xFFFF  }
0xc0: {  	[dreg:$0x0] =	wrdreg $0xFFFFFFFF;
	(pc) =	sbr.abs _section_cstart, $3  }
0xc1: {  	[dreg:$0x1] =	wrdreg $0xFFFFFFFF  }
0xc2: {  	_ =	task.clear_ibuf [dreg:s7], $0x2FFFF;
	_ =	strace $0x9FFFFFFF  }
0xc3: {  	(tm) =	ssettm $0x7FFFFFFF  }
tec
execute0_lowered:
.L_overlay_start_1:
0x0: {  	(tag) =	ssettag $0x1  }
0x1: {  	s0 =	rddreg [dreg:$0x0]  }
0x2: {  	s1 =	rddreg [dreg:$0x1]  }
0x3: {  	s2 =	rddreg [dreg:$0x2];
	s3 =	simm.s32 $0x0  }
0x4: {  	s6 =	srdreg.scid;
	s13 =	stileid.u32;
	s28 =	simm.s32 $0x5000  }
0x5: {  	s29 =	simm.s32 $0x5080;
	s30 =	simm.s32 $0x5100;
	s31 =	simm.s32 $0x50  }
0x6: {  	[smem:$0x7FF] =	sst s3;
	s4 =	sadd.s32 $0xB600, s0;
	s5 =	sadd.s32 $0x1800, s0  }
0x7: {  	s7 =	sadd.s32 $0x15400, s0;
	s8 =	sadd.s32 $0x1F200, s0;
	s12 =	smul.u32 $0x50000, s13  }
0x8: {  	s6 =	sand.u32 $0x1, s6;
	s11 =	sshll.u32 s13, $0x1;
	s15 =	smul.u32 $0x14000, s13  }
0x9: {  	_ =	strace $0x8000004A;
	[dreg:$0x4] =	wrdreg s8;
	s8 =	sadd.s32 $0x1FC00, s0  }
0xa: {  	s9 =	ssub.s32 $0x2, s6;
	s20 =	sor.u32 s6, s11;
	s0 =	sadd.s32 $0x1F210, s0  }
0xb: {  	s6 =	smul.u32 $0x140000, s6;
	s10 =	sshrl.u32 s9, $0x1;
	[dreg:$0x5] =	wrdreg s0  }
0xc: {  	s21 =	sshrl.u32 s12, $0x2;
	s22 =	sadd.s32 $0x4000, s15;
	s16 =	sadd.s32 $0x8000, s15  }
0xd: {  	s17 =	sadd.s32 $0xC000, s15;
	s19 =	sadd.s32 $0x10000, s15;
	s10 =	ssub.s32 s9, s10  }
0xe: {  	s9 =	smul.u32 $0x2710, s20;
	s11 =	sadd.s32 s21, s2;
	s12 =	sadd.s32 s22, s2  }
0xf: {  	s13 =	sadd.s32 s16, s2;
	s14 =	sadd.s32 s17, s2;
	s18 =	sadd.s32 s15, s6  }
0x10: {  	s0 =	sadd.s32 s6, s22;
	s15 =	sadd.s32 s19, s2;
	s23 =	sadd.s32 s6, s16  }
0x11: {  	s24 =	sadd.s32 s6, s17;
	s6 =	sadd.s32 s6, s19;
	s18 =	sshrl.u32 s18, $0x3  }
0x12: {  	s0 =	sshrl.u32 s0, $0x3;
	s16 =	sshrl.u32 s24, $0x3;
	s26 =	sshrl.u32 s6, $0x3  }
0x13: {  	s21 =	smax.u32 s10, $0x1;
	s24 =	simm.s32 $0x2;
	s18 =	sadd.s32 s8, s18  }
0x14: {  	s6 =	simm.s32 $0x1;
	s0 =	sadd.s32 s8, s0;
	[dreg:$0x6] =	wrdreg s18  }
0x15: {  	s25 =	sadd.s32 s8, s16;
	s20 =	sadd.s32 s8, s26;
	[dreg:$0x7] =	wrdreg s0  }
0x16: {  	s26 =	simm.s32 $0x7A00;
	s0 =	sshrl.u32 s23, $0x3;
	[dreg:$0x9] =	wrdreg s25  }
0x17: {  	s23 =	simm.s32 $0x100;
	s25 =	simm.s32 $0x5180;
	s0 =	sadd.s32 s8, s0  }
0x18: {  	v0 =	vimm.f32 $0.0e+00;
	s8 =	simm.s32 $0x0;
	[dreg:$0x8] =	wrdreg s0;
	s0 =	simm.s32 $0x5200  }
.LBB2_1:
0x19: {  	s10 =	rddreg [dreg:$0x4];
	s16 =	simm.s32 $0x80  }
0x1a: {  	[tilespmem:s3], [sflag:$0x2] =	stream.strided.gather [hbm4b:s10+s16], $0x2800, s23, s16, $0x38;
	[tilespmem:$0x1FA00] =	vst v63  }
0x1b: {  	_ =	swait.ge [sflag:s24], $0x2800  }
0x1c: {  	[sflag:s24] =	ssyncset.done $0x0  }
0x1d: {  	s17 =	simm.s32 $0x2800;
	s22 =	rddreg [dreg:$0x5];
	[sflag:s24] =	ssyncadd.s32 $0xFFFFD800  }
0x1e: {  	[tilespmem:s17], [sflag:$0x2] =	stream.strided.gather [hbm4b:s22+s16], $0x2800, s23, s16, $0x38;
	[tilespmem:$0x1FA00] =	vst v63  }
0x1f: {  	_ =	swait.ge [sflag:s24], $0x2800  }
0x20: {  	[sflag:s24] =	ssyncset.done $0x0  }
0x21: {  	s10 =	simm.s32 $0x0;
	[sflag:s24] =	ssyncadd.s32 $0xFFFFD800  }
0x22: {  	s16 =	simm.s32 $0x40;
	v1 =	vld [tilespmem:s10+$0x2800]  }
.LBB2_2:
0x23: {  	p0 =	sne.s32 s16, $0x9FC0;
	v2 =	vld [tilespmem:s10+$0x0];
	_ =	sdelay $0x2  }
.Ltmp0:
0x24: {  	(pc) =	sbr.rel @p0 .LBB2_2-.Ltmp0, $4  }
0x25: {  	_ = 	snop  }
0x26: {  	v2 =	vadd.f32 v1, v2  }
0x27: {  	s17 =	sshra.s32 s16, $0x2  }
0x28: {  	s16 =	sadd.s32 $0x40, s16;
	v1 =	vld [tilespmem:s17+$0x2800];
	[tilespmem:s10+$0x0] =	vst v2;
	s10 =	smov.u32 s17  }
0x29: {  	v2 =	vld [tilespmem:s10+$0x0];
	_ =	sdelay $0x3  }
0x2a: {  	s16 =	simm.s32 $0x0  }
0x2b: {  	s17 =	sand.u32 $0xFE00, s16;
	v1 =	vadd.f32 v1, v2  }
0x2c: {  	s18 =	sand.u32 $0x70, s16;
	s17 =	sshrl.u32 s17, $0x2  }
0x2d: {  	s17 =	sor.u32 s18, s17;
	[tilespmem:s10+$0x0] =	vst v1;
	s10 =	simm.s32 $0x40  }
.LBB2_4:
0x2e: {  	p0 =	sne.s32 s10, $0xFFC0  }
0x2f: {  	[tilespmem:s17+$0x7A00] =	vst v0;
	s16 =	sadd.s32 $0x10, s16;
	s17 =	smov.u32 s10;
	s10 =	sadd.s32 $0x40, s10  }
.Ltmp1:
0x30: {  	(pc) =	sbr.rel @p0 .LBB2_4-.Ltmp1, $4  }
0x31: {  	_ = 	snop  }
0x32: {  	s17 =	sand.u32 $0xFE00, s17  }
0x33: {  	s18 =	sand.u32 $0x70, s16;
	s17 =	sshrl.u32 s17, $0x2  }
0x34: {  	s17 =	sor.u32 s18, s17  }
0x35: {  	[tilespmem:s17+$0x7A00] =	vst v0  }
0x36: {  	[spmem:s11] =	stream.linear.scatter [tilespmem:s26], [sflag:$0x2], $0x4000, $0x38;
	[tilespmem:$0x1FA00] =	vst v63  }
0x37: {  	_ =	swait.ge [sflag:s24], $0x4000  }
0x38: {  	[sflag:s24] =	ssyncset.done $0x0  }
0x39: {  	[sflag:s24] =	ssyncadd.s32 $0xFFFFC000  }
0x3a: {  	[spmem:s12] =	stream.linear.scatter [tilespmem:s26], [sflag:$0x2], $0x4000, $0x38;
	[tilespmem:$0x1FA00] =	vst v63  }
0x3b: {  	_ =	swait.ge [sflag:s24], $0x4000  }
0x3c: {  	[sflag:s24] =	ssyncset.done $0x0  }
0x3d: {  	[sflag:s24] =	ssyncadd.s32 $0xFFFFC000  }
0x3e: {  	[spmem:s13] =	stream.linear.scatter [tilespmem:s26], [sflag:$0x2], $0x4000, $0x38;
	[tilespmem:$0x1FA00] =	vst v63  }
0x3f: {  	_ =	swait.ge [sflag:s24], $0x4000  }
0x40: {  	[sflag:s24] =	ssyncset.done $0x0  }
0x41: {  	[sflag:s24] =	ssyncadd.s32 $0xFFFFC000  }
0x42: {  	[spmem:s14] =	stream.linear.scatter [tilespmem:s26], [sflag:$0x2], $0x4000, $0x38;
	[tilespmem:$0x1FA00] =	vst v63  }
0x43: {  	_ =	swait.ge [sflag:s24], $0x4000  }
0x44: {  	[sflag:s24] =	ssyncset.done $0x0  }
0x45: {  	[sflag:s24] =	ssyncadd.s32 $0xFFFFC000  }
0x46: {  	[spmem:s15] =	stream.linear.scatter [tilespmem:s26], [sflag:$0x2], $0x4000, $0x38;
	[tilespmem:$0x1FA00] =	vst v63  }
0x47: {  	_ =	swait.ge [sflag:s24], $0x4000  }
0x48: {  	[sflag:s24] =	ssyncset.done $0x0  }
0x49: {  	[sflag:s24] =	ssyncadd.s32 $0xFFFFC000  }
0x4a: {  	s10 =	simm.s32 $0x0;
	s16 =	simm.s32 $0x0;
	[bflag:$0x0] =	sbarrier.arrive $0xFFFF  }
.LBB2_6:
0x4b: {  	s17 =	smul.u32 $0x50, s16;
	_ =	sdelay $0x1  }
0x4c: {  	s17 =	sadd.s32 s9, s17  }
0x4d: {  	s17 =	sshrl.u32 s17, $0x3  }
0x4e: {  	s18 =	sadd.s32 s4, s17  }
0x4f: {  	[tilespmem:s28], [sflag:$0x2] =	stream.linear.gather [hbm4b:s18+s10], $0x50, $0x38;
	[tilespmem:$0x1FA00] =	vst v63  }
0x50: {  	_ =	swait.ge [sflag:s24], $0x50  }
0x51: {  	[sflag:s24] =	ssyncset.done $0x0  }
0x52: {  	s22 =	sadd.s32 s5, s17;
	[sflag:s24] =	ssyncadd.s32 $0xFFFFFFB0  }
0x53: {  	[tilespmem:s29], [sflag:$0x2] =	stream.linear.gather [hbm4b:s22+s10], $0x50, $0x38;
	[tilespmem:$0x1FA00] =	vst v63  }
0x54: {  	_ =	swait.ge [sflag:s24], $0x50  }
0x55: {  	[sflag:s24] =	ssyncset.done $0x0  }
0x56: {  	s17 =	sadd.s32 s7, s17;
	[sflag:s24] =	ssyncadd.s32 $0xFFFFFFB0  }
0x57: {  	[tilespmem:s30], [sflag:$0x2] =	stream.linear.gather [hbm4b:s17+s10], $0x50, $0x38;
	[tilespmem:$0x1FA00] =	vst v63  }
0x58: {  	_ =	swait.ge [sflag:s24], $0x50  }
0x59: {  	[sflag:s24] =	ssyncset.done $0x0  }
0x5a: {  	[sflag:s24] =	ssyncadd.s32 $0xFFFFFFB0  }
0x5b: {  	[tilespmem:s0], [sflag:$0x1] =	stream.indirect.gather [hbm4b:s1+s31], $0x80, s29, s31, $0xb8;
	[tilespmem:$0x1FA00] =	vst v63  }
0x5c: {  	_ =	swait.ge [sflag:s6], $0x2800  }
0x5d: {  	[sflag:s6] =	ssyncset.done $0x0  }
0x5e: {  	[sflag:s6] =	ssyncadd.s32 $0xFFFFD800  }
0x5f: {  	v1 =	vld [tilespmem:$0x5000];
	_ =	sdelay $0x7  }
0x60: {  	v1 =	vld.idx.msk [tilespmem:v1+s10+$0x0], $0xffff;
	_ =	sdelay $0x4  }
0x61: {  	v1 =	vadd.f32 $1.000000020e-16, v1;
	_ =	sdelay $0x1  }
0x62: {  	(erf) = vrcp.f32 v1;
	_ =	sdelay $0x3  }
0x63: {  	v2 =	vld [tilespmem:$0x5010]  }
0x64: {  	v1 =	vld [tilespmem:$0x5100];
	_ =	sdelay $0x3  }
0x65: {  	v3 =	vpop (erf)  }
0x66: {  	v1 =	vmul.f32 v3, v1;
	_ =	sdelay $0x1  }
0x67: {  	[tilespmem:$0x5180] =	vst v1  }
0x68: {  	v1 =	vld.idx.msk [tilespmem:v2+s10+$0x0], $0xffff;
	_ =	sdelay $0x4  }
0x69: {  	v1 =	vadd.f32 $1.000000020e-16, v1;
	_ =	sdelay $0x1  }
0x6a: {  	(erf) = vrcp.f32 v1;
	_ =	sdelay $0x3  }
0x6b: {  	v2 =	vld [tilespmem:$0x5020]  }
0x6c: {  	v1 =	vld [tilespmem:$0x5110];
	_ =	sdelay $0x3  }
0x6d: {  	v3 =	vpop (erf)  }
0x6e: {  	v1 =	vmul.f32 v3, v1;
	_ =	sdelay $0x1  }
0x6f: {  	[tilespmem:$0x5190] =	vst v1  }
0x70: {  	v1 =	vld.idx.msk [tilespmem:v2+s10+$0x0], $0xffff;
	_ =	sdelay $0x4  }
0x71: {  	v1 =	vadd.f32 $1.000000020e-16, v1;
	_ =	sdelay $0x1  }
0x72: {  	(erf) = vrcp.f32 v1;
	_ =	sdelay $0x3  }
0x73: {  	v2 =	vld [tilespmem:$0x5030]  }
0x74: {  	v1 =	vld [tilespmem:$0x5120];
	_ =	sdelay $0x3  }
0x75: {  	v3 =	vpop (erf)  }
0x76: {  	v1 =	vmul.f32 v3, v1;
	_ =	sdelay $0x1  }
0x77: {  	[tilespmem:$0x51A0] =	vst v1  }
0x78: {  	v1 =	vld.idx.msk [tilespmem:v2+s10+$0x0], $0xffff;
	_ =	sdelay $0x4  }
0x79: {  	v1 =	vadd.f32 $1.000000020e-16, v1;
	_ =	sdelay $0x1  }
0x7a: {  	(erf) = vrcp.f32 v1;
	_ =	sdelay $0x3  }
0x7b: {  	v2 =	vld [tilespmem:$0x5040]  }
0x7c: {  	v1 =	vld [tilespmem:$0x5130];
	_ =	sdelay $0x3  }
0x7d: {  	v3 =	vpop (erf)  }
0x7e: {  	v1 =	vmul.f32 v3, v1;
	_ =	sdelay $0x1  }
0x7f: {  	[tilespmem:$0x51B0] =	vst v1  }
0x80: {  	v1 =	vld.idx.msk [tilespmem:v2+s10+$0x0], $0xffff;
	_ =	sdelay $0x4  }
0x81: {  	v1 =	vadd.f32 $1.000000020e-16, v1;
	_ =	sdelay $0x1  }
0x82: {  	(erf) = vrcp.f32 v1;
	_ =	sdelay $0x4  }
0x83: {  	v1 =	vld [tilespmem:$0x5140];
	_ =	sdelay $0x3  }
0x84: {  	v2 =	vpop (erf)  }
0x85: {  	v1 =	vmul.f32 v2, v1  }
0x86: {  	v2 =	vmov s10  }
0x87: {  	s17 =	simm.s32 $0x5240;
	[tilespmem:$0x51C0] =	vst v1  }
0x88: {  	v5 =	vld [tilespmem:s17+$0x30]  }
0x89: {  	v8 =	vld [tilespmem:s17+$0x10]  }
0x8a: {  	v6 =	vld [tilespmem:s17+$0xFFFFFFC0]  }
0x8b: {  	v2 =	vld.idx.msk [tilespmem:v2+s25+$0x0], $0xffff  }
0x8c: {  	v10 =	vld [tilespmem:s17+$0xFFFFFFE0]  }
0x8d: {  	v1 =	vld [tilespmem:s17+$0xFFFFFFF0]  }
0x8e: {  	v3 =	vld [tilespmem:s17+$0x20]  }
0x8f: {  	v4 =	vld [tilespmem:s17+$0xFFFFFFD0]  }
0x90: {  	v9 =	vmul.f32 v5, v2;
	v5 =	vld [tilespmem:s17+$0x0]  }
0x91: {  	v7 =	vmul.f32 v6, v2  }
0x92: {  	s18 =	simm.s32 $0x1;
	s22 =	simm.s32 $0x5240;
	v6 =	vmul.f32 v10, v2;
	v8 =	vmul.f32 v8, v2  }
.LBB2_7:
0x93: {  	p0 =	sne.s32 s18, $0x4F  }
0x94: {  	v4 =	vmul.f32 v4, v2;
	v3 =	vmul.f32 v3, v2;
	[tilespmem:s17+$0x30] =	vst v9;
	s22 =	sadd.s32 $0x80, s22;
	s19 =	smov.u32 s18;
	s18 =	sadd.s32 $0x1, s18  }
0x95: {  	[tilespmem:s17+$0xFFFFFFC0] =	vst v7;
	v7 =	vmul.f32 v1, v2;
	v2 =	vmul.f32 v5, v2  }
0x96: {  	[tilespmem:s17+$0x10] =	vst v8  }
0x97: {  	v5 =	vmov s19;
	[tilespmem:s17+$0xFFFFFFE0] =	vst v6  }
0x98: {  	v1 =	vld [tilespmem:s22+$0xFFFFFFF0];
	[tilespmem:s17+$0xFFFFFFF0] =	vst v7  }
0x99: {  	v6 =	vld [tilespmem:s22+$0x30];
	[tilespmem:s17+$0x0] =	vst v2  }
0x9a: {  	v8 =	vld [tilespmem:s22+$0x10];
	[tilespmem:s17+$0x20] =	vst v3  }
0x9b: {  	v7 =	vld [tilespmem:s22+$0xFFFFFFC0];
	[tilespmem:s17+$0xFFFFFFD0] =	vst v4;
	s17 =	smov.u32 s22  }
0x9c: {  	v2 =	vld.idx.msk [tilespmem:v5+s25+$0x0], $0xffff  }
0x9d: {  	v10 =	vld [tilespmem:s22+$0xFFFFFFE0]  }
0x9e: {  	v3 =	vld [tilespmem:s22+$0x20]  }
.Ltmp2:
0x9f: {  	v4 =	vld [tilespmem:s22+$0xFFFFFFD0];
	(pc) =	sbr.rel @p0 .LBB2_7-.Ltmp2, $3  }
0xa0: {  	v5 =	vld [tilespmem:s22+$0x0];
	_ =	sdelay $0x1  }
0xa1: {  	v7 =	vmul.f32 v7, v2;
	v9 =	vmul.f32 v6, v2  }
0xa2: {  	v8 =	vmul.f32 v8, v2;
	v6 =	vmul.f32 v10, v2  }
0xa3: {  	[tilespmem:s17+$0x30] =	vst v9  }
0xa4: {  	[tilespmem:s17+$0xFFFFFFC0] =	vst v7  }
0xa5: {  	v1 =	vmul.f32 v1, v2;
	[tilespmem:s17+$0x10] =	vst v8  }
0xa6: {  	v3 =	vmul.f32 v3, v2;
	[tilespmem:s17+$0xFFFFFFE0] =	vst v6  }
0xa7: {  	v5 =	vmul.f32 v5, v2;
	[tilespmem:s17+$0xFFFFFFF0] =	vst v1  }
0xa8: {  	s16 =	sadd.s32 $0x1, s16;
	v1 =	vmul.f32 v4, v2;
	[tilespmem:s17+$0x20] =	vst v3  }
0xa9: {  	p0 =	sne.s32 s16, $0x7D;
	[tilespmem:s17+$0x0] =	vst v5  }
.Ltmp3:
0xaa: {  	[tilespmem:s17+$0xFFFFFFD0] =	vst v1;
	(pc) =	sbr.rel @p0 .LBB2_6-.Ltmp3, $4  }
0xab: {  	[spmem:s2] =	stream.indirect.scatter.add.f32 [tilespmem:s0], [sflag:$0x2], $0x80, s28, s31, $0xb8;
	[tilespmem:$0x1FA00] =	vst v63  }
0xac: {  	_ =	swait.ge [sflag:s24], $0x2800  }
0xad: {  	[sflag:s24] =	ssyncset.done $0x0  }
0xae: {  	[sflag:s24] =	ssyncadd.s32 $0xFFFFD800  }
0xaf: {  	[bflag:$0x0] =	sbarrier.arrive $0xFFFF  }
0xb0: {  	[tilespmem:s26], [sflag:$0x2] =	stream.linear.gather [spmem:s11], $0x4000, $0x38;
	[tilespmem:$0x1FA00] =	vst v63  }
0xb1: {  	_ =	swait.ge [sflag:s24], $0x4000  }
0xb2: {  	[sflag:s24] =	ssyncset.done $0x0  }
0xb3: {  	s10 =	rddreg [dreg:$0x6];
	[sflag:s24] =	ssyncadd.s32 $0xFFFFC000  }
0xb4: {  	[hbm4b:s10+s3] =	stream.linear.scatter [tilespmem:s26], [sflag:$0x2], $0x4000, $0x38;
	[tilespmem:$0x1FA00] =	vst v63  }
0xb5: {  	_ =	swait.ge [sflag:s24], $0x4000  }
0xb6: {  	[sflag:s24] =	ssyncset.done $0x0  }
0xb7: {  	[sflag:s24] =	ssyncadd.s32 $0xFFFFC000  }
0xb8: {  	[tilespmem:s26], [sflag:$0x2] =	stream.linear.gather [spmem:s12], $0x4000, $0x38;
	[tilespmem:$0x1FA00] =	vst v63  }
0xb9: {  	_ =	swait.ge [sflag:s24], $0x4000  }
0xba: {  	[sflag:s24] =	ssyncset.done $0x0  }
0xbb: {  	s18 =	rddreg [dreg:$0x7];
	[sflag:s24] =	ssyncadd.s32 $0xFFFFC000  }
0xbc: {  	[hbm4b:s18+s3] =	stream.linear.scatter [tilespmem:s26], [sflag:$0x2], $0x4000, $0x38;
	[tilespmem:$0x1FA00] =	vst v63  }
0xbd: {  	_ =	swait.ge [sflag:s24], $0x4000  }
0xbe: {  	[sflag:s24] =	ssyncset.done $0x0  }
0xbf: {  	[sflag:s24] =	ssyncadd.s32 $0xFFFFC000  }
0xc0: {  	[tilespmem:s26], [sflag:$0x2] =	stream.linear.gather [spmem:s13], $0x4000, $0x38;
	[tilespmem:$0x1FA00] =	vst v63  }
0xc1: {  	_ =	swait.ge [sflag:s24], $0x4000  }
0xc2: {  	[sflag:s24] =	ssyncset.done $0x0  }
0xc3: {  	s19 =	rddreg [dreg:$0x8];
	[sflag:s24] =	ssyncadd.s32 $0xFFFFC000  }
0xc4: {  	[hbm4b:s19+s3] =	stream.linear.scatter [tilespmem:s26], [sflag:$0x2], $0x4000, $0x38;
	[tilespmem:$0x1FA00] =	vst v63  }
0xc5: {  	_ =	swait.ge [sflag:s24], $0x4000  }
0xc6: {  	[sflag:s24] =	ssyncset.done $0x0  }
0xc7: {  	[sflag:s24] =	ssyncadd.s32 $0xFFFFC000  }
0xc8: {  	[tilespmem:s26], [sflag:$0x2] =	stream.linear.gather [spmem:s14], $0x4000, $0x38;
	[tilespmem:$0x1FA00] =	vst v63  }
0xc9: {  	_ =	swait.ge [sflag:s24], $0x4000  }
0xca: {  	[sflag:s24] =	ssyncset.done $0x0  }
0xcb: {  	s22 =	rddreg [dreg:$0x9];
	[sflag:s24] =	ssyncadd.s32 $0xFFFFC000  }
0xcc: {  	[hbm4b:s22+s3] =	stream.linear.scatter [tilespmem:s26], [sflag:$0x2], $0x4000, $0x38;
	[tilespmem:$0x1FA00] =	vst v63  }
0xcd: {  	_ =	swait.ge [sflag:s24], $0x4000  }
0xce: {  	[sflag:s24] =	ssyncset.done $0x0  }
0xcf: {  	[sflag:s24] =	ssyncadd.s32 $0xFFFFC000  }
0xd0: {  	[tilespmem:s26], [sflag:$0x2] =	stream.linear.gather [spmem:s15], $0x4000, $0x38;
	[tilespmem:$0x1FA00] =	vst v63  }
0xd1: {  	s8 =	sadd.s32 $0x1, s8;
	_ =	swait.ge [sflag:s24], $0x4000  }
0xd2: {  	p0 =	sne.s32 s8, s21;
	[sflag:s24] =	ssyncset.done $0x0  }
.Ltmp4:
0xd3: {  	[sflag:s24] =	ssyncadd.s32 $0xFFFFC000;
	(pc) =	sbr.rel @p0 .LBB2_1-.Ltmp4, $4  }
0xd4: {  	[hbm4b:s20+s3] =	stream.linear.scatter [tilespmem:s26], [sflag:$0x2], $0x4000, $0x38;
	[tilespmem:$0x1FA00] =	vst v63  }
0xd5: {  	_ =	swait.ge [sflag:s24], $0x4000  }
0xd6: {  	[sflag:s24] =	ssyncset.done $0x0  }
0xd7: {  	[sflag:s24] =	ssyncadd.s32 $0xFFFFC000  }
0xd8: {  	_ =	sfence.sel $0x180000  }
0xd9: {  	[bflag:$0x0] =	sbarrier.arrive $0xFFFF  }
0xda: {  	_ =	strace $0x9000004A  }
0xdb: {  	s0 =	stileid.u32;
	[bflag:$0x2] =	sbarrier.arrive $0xFFFF  }
0xdc: {  	p0 =	sne.s32 s0, $0x0;
	s0 =	rddreg [dreg:$0x3]  }
0xdd: {  	s0 =	sadd.s32 @!p0 $0x100000, s0  }
0xde: {  	[sflag:s0] =	ssyncadd.tile.s32 @!p0 $0x1;
	_ =	shalt  }
.Lfunc_end2:
_tile_overlayer_lowered:
.L_overlay_start_2:
0xdf: {  	(tag) =	ssettag $0x2  }
0xe0: {  	s0 =	rddreg [dreg:$0x0];
	s2 =	stileid.u32  }
0xe1: {  	s1 =	rddreg [dreg:$0x1];
	p0 =	sne.s32 s2, $0x0  }
0xe2: {  	s3 =	rddreg [dreg:$0x2];
	[bflag:$0x3] =	sbarrier.arrive $0xFFFF;
	s2 =	simm.s32 @!p0 $0x1C02  }
0xe3: {  	[timem:s3], [sflag:s2] =	dma.local @!p0 [hbm:s0], s1  }
0xe4: {  	s0 =	simm.s32 @!p0 $0x2  }
0xe5: {  	_ =	swait.ge @!p0 [sflag:s0], s1  }
0xe6: {  	s1 =	ssub.s32 @!p0 $0x0, s1;
	[sflag:s0] =	ssyncset.done @!p0 $0x0  }
0xe7: {  	[sflag:s0] =	ssyncadd.s32 @!p0 s1  }
0xe8: {  	[bflag:$0x3] =	sbarrier.arrive $0xFFFF  }
0xe9: {  	_ =	shalt  }

</sc_bundles>
